<compile_context>
chip_gen: v7x
topology: tpu7x:2x2x1
jax: 0.10.2.dev20260603
libtpu: 0.0.44.dev20260713+nightly
codegen_flags: <defaults>
</compile_context>

<pallas_src>
import jax
import jax.numpy as jnp
from jax import lax
from jax.experimental import pallas as pl
from jax.experimental.pallas import tpu as pltpu
from jax.experimental.pallas import tpu_sc as plsc

BATCH = 16384
EMBED = 64
NUM_CORES = 2
NUM_SUBCORES = 16
NUM_TILES = NUM_CORES * NUM_SUBCORES
B_PER_TILE = BATCH // NUM_TILES
LANES = 16
N_CHUNKS = B_PER_TILE // LANES
SPLIT = 256
STAGED = B_PER_TILE - SPLIT


def kernel(inputs, W):
    idx = inputs.reshape((BATCH,))

    mesh = plsc.VectorSubcoreMesh(core_axis_name="c", subcore_axis_name="s")

    @pl.kernel(
        out_type=jax.ShapeDtypeStruct((BATCH, EMBED), W.dtype),
        mesh=mesh,
        scratch_types=[
            pltpu.VMEM((B_PER_TILE,), jnp.int32),
            pltpu.VMEM((STAGED, EMBED), jnp.float32),
            pltpu.VMEM_SHARED((NUM_SUBCORES * SPLIT, EMBED), jnp.float32),
            pltpu.SemaphoreType.DMA,
            pltpu.SemaphoreType.DMA,
            pltpu.SemaphoreType.DMA,
        ],
        compiler_params=pltpu.CompilerParams(needs_layout_passes=False),
    )
    def gather_kernel(table_hbm, idx_hbm, out_hbm, idx_v, rows_v, shared_v,
                      sem_i, sem_t, sem_s):
        c_id = lax.axis_index("c")
        s_id = lax.axis_index("s")
        wid = s_id * NUM_CORES + c_id
        base = wid * B_PER_TILE
        sbase = s_id * SPLIT
        pltpu.async_copy(idx_hbm.at[pl.ds(base, B_PER_TILE)], idx_v, sem_i).wait()

        lane = lax.broadcasted_iota(jnp.int32, (LANES,), 0)

        @pl.loop(0, N_CHUNKS)
        def _(c):
            chunk = idx_v[pl.ds(c * LANES, LANES)]
            for j in range(LANES):
                i = jnp.sum(jnp.where(lane == j, chunk, 0))
                b = c * LANES + j

                @pl.when(b < SPLIT)
                def _():
                    pltpu.make_async_copy(
                        table_hbm.at[pl.ds(i, 1)],
                        shared_v.at[pl.ds(sbase + b, 1)],
                        sem_s,
                    ).start()

                @pl.when(b >= SPLIT)
                def _():
                    pltpu.make_async_copy(
                        table_hbm.at[pl.ds(i, 1)],
                        rows_v.at[pl.ds(b - SPLIT, 1)],
                        sem_t,
                    ).start()

        @pl.loop(0, SPLIT)
        def _(b):
            pltpu.make_async_copy(
                table_hbm.at[pl.ds(0, 1)],
                shared_v.at[pl.ds(sbase + b, 1)],
                sem_s,
            ).wait()

        @pl.loop(0, STAGED)
        def _(b):
            pltpu.make_async_copy(
                table_hbm.at[pl.ds(0, 1)],
                rows_v.at[pl.ds(b, 1)],
                sem_t,
            ).wait()

        pltpu.sync_copy(shared_v.at[pl.ds(sbase, SPLIT)],
                        out_hbm.at[pl.ds(base, SPLIT)])
        pltpu.sync_copy(rows_v, out_hbm.at[pl.ds(base + SPLIT, STAGED)])

    return gather_kernel(W, idx)

# --- scband reference (transcript-rebuilt; emitter-appended) ---
"""Pipeline reference for scband-weights-data-13915694039806 (READ-ONLY COPY).

The authoritative reference and input builder live on the scoring server;
editing this copy changes nothing except your own understanding.
"""

import jax, jax.numpy as jnp
import numpy as np

VOCAB = 1000000
EMBED = 64
BATCH = 16384

def setup_inputs(seed: int = 0) -> dict:
    key = jax.random.key(seed)
    k1, k2 = jax.random.split(key)
    inputs = jax.random.randint(k1, (BATCH, 1), 0, VOCAB, dtype=jnp.int64 if jax.config.jax_enable_x64 else jnp.int32).astype(jnp.int32)
    W = jax.random.normal(k2, (VOCAB, EMBED), dtype=jnp.float32) * 0.02
    return {"inputs": inputs, "W": W}

def reference(inputs, W):
    # tf.gather_nd(W, inputs) with index depth 1: gather rows of W
    # inputs: [B, 1] int indices -> out [B, EMBED]
    idx = inputs[:, 0]
    out = jnp.take(W, idx, axis=0)
    return out

if __name__ == "__main__":
    import jax
    _d = setup_inputs()
    print(jax.jit(kernel)(*tuple(_d.values())))

</pallas_src>

<mosaic_0001>
#map = affine_map<(d0, d1) -> (0, 0)>
#map1 = affine_map<(d0, d1) -> (0)>
module attributes {stable_mosaic.version = 14 : i64} {
  func.func @gather_kernel(%arg0: i32, %arg1: i32, %arg2: memref<1000000x64xf32, #tpu.memory_space<hbm>>, %arg3: memref<16384xi32, #tpu.memory_space<hbm>>, %arg4: memref<16384x64xf32, #tpu.memory_space<hbm>>, %arg5: memref<512xi32, #tpu.memory_space<vmem>>, %arg6: memref<256x64xf32, #tpu.memory_space<vmem>>, %arg7: memref<4096x64xf32, #tpu.memory_space<vmem_shared>>, %arg8: memref<!tpu.dma_semaphore, #tpu.memory_space<semaphore_mem>>, %arg9: memref<!tpu.dma_semaphore, #tpu.memory_space<semaphore_mem>>, %arg10: memref<!tpu.dma_semaphore, #tpu.memory_space<semaphore_mem>>) attributes {dimension_semantics = [#tpu.dimension_semantics<core_parallel>, #tpu.dimension_semantics<subcore_parallel>], iteration_bounds = array<i64: 2, 16>, scalar_prefetch = 0 : i64, scratch_operands = 6 : i64, tpu.core_type = #tpu.core_type<sc_vector_subcore>, window_params = [{transform_indices = #map}, {transform_indices = #map1}, {transform_indices = #map}]} {
    %mul3A = arith.constant 2 : i32
    %mul3A_0 = arith.muli %arg1, %mul3A : i32
    %add3A = arith.addi %mul3A_0, %arg0 : i32
    %mul3A_1 = arith.constant 512 : i32
    %mul3A_2 = arith.muli %add3A, %mul3A_1 : i32
    %mul3A_3 = arith.constant 256 : i32
    %mul3A_4 = arith.muli %arg1, %mul3A_3 : i32
    %dma_start3A = tpu.memref_slice %arg3[%mul3A_2] : memref<16384xi32, #tpu.memory_space<hbm>> -> memref<512xi32, #tpu.memory_space<hbm>>
    %dma_start3A_5 = tpu.memref_slice %arg3[%mul3A_2] : memref<16384xi32, #tpu.memory_space<hbm>> -> memref<512xi32, #tpu.memory_space<hbm>>
    tpu.enqueue_dma source(%dma_start3A_5 : memref<512xi32, #tpu.memory_space<hbm>>) target(%arg5 : memref<512xi32, #tpu.memory_space<vmem>>) target_semaphore(%arg8 : memref<!tpu.dma_semaphore, #tpu.memory_space<semaphore_mem>>)
    %dma_wait3A = tpu.memref_slice %arg3[%mul3A_2] : memref<16384xi32, #tpu.memory_space<hbm>> -> memref<512xi32, #tpu.memory_space<hbm>>
    %dma_wait3A_6 = tpu.memref_slice %arg3[%mul3A_2] : memref<16384xi32, #tpu.memory_space<hbm>> -> memref<512xi32, #tpu.memory_space<hbm>>
    tpu.wait_dma2 semaphore(%arg8 : memref<!tpu.dma_semaphore, #tpu.memory_space<semaphore_mem>>) src(%dma_wait3A_6 : memref<512xi32, #tpu.memory_space<hbm>>) dst(%arg5 : memref<512xi32, #tpu.memory_space<vmem>>)
    %iota3A = tpu.iota {dimensions = array<i32: 0>} : vector<16xi32>
    %scan3A = arith.constant 0 : i32
    %scan3A_7 = arith.constant 32 : i32
    %scan3A_8 = arith.addi %scan3A, %scan3A_7 : i32
    %scan3A_9 = arith.constant 1 : i32
    scf.for %scan3A_23 = %scan3A to %scan3A_8 step %scan3A_9  : i32 {
      %mul3A_24 = arith.constant 1 : i32
      %mul3A_25 = arith.muli %scan3A_23, %mul3A_24 : i32
      %add3A_26 = arith.constant 0 : i32
      %add3A_27 = arith.addi %add3A_26, %mul3A_25 : i32
      %mul3A_28 = arith.constant 16 : i32
      %mul3A_29 = arith.muli %add3A_27, %mul3A_28 : i32
      %get3A = arith.index_cast %mul3A_29 : i32 to index
      %get3A_30 = tpu.vector_load %arg5[%get3A] {strides = array<i32>} : memref<512xi32, #tpu.memory_space<vmem>>, vector<16xi32>,
      %eq3A = arith.constant 0 : i32
      %eq3A_31 = vector.broadcast %eq3A : i32 to vector<16xi32>
      %eq3A_32 = arith.cmpi eq, %iota3A, %eq3A_31 : vector<16xi32>
      %jit3A = arith.constant 0 : i32
      %broadcast_in_dim3A = vector.broadcast %jit3A : i32 to vector<16xi32>
      %select_n3A = arith.select %eq3A_32, %get3A_30, %broadcast_in_dim3A : vector<16xi1>, vector<16xi32>
      %reduce_sum3A = arith.constant true
      %reduce_sum3A_33 = vector.broadcast %reduce_sum3A : i1 to vector<16xi1>
      %reduce_sum3A_34 = tpu.scan <sum>, %select_n3A masked %reduce_sum3A_33 : vector<16xi32>, vector<16xi1> -> vector<16xi32>
      %reduce_sum3A_35 = vector.extract %reduce_sum3A_34[15] : i32 from vector<16xi32>
      %mul3A_36 = arith.constant 16 : i32
      %mul3A_37 = arith.muli %add3A_27, %mul3A_36 : i32
      %add3A_38 = arith.constant 0 : i32
      %add3A_39 = arith.addi %mul3A_37, %add3A_38 : i32
      %lt3A = arith.constant 256 : i32
      %lt3A_40 = arith.cmpi slt, %add3A_39, %lt3A : i32
      %convert_element_type3A = arith.extui %lt3A_40 : i1 to i32
      %cond3A = arith.constant 0 : i32
      %cond3A_41 = arith.cmpi ne, %convert_element_type3A, %cond3A : i32
      scf.if %cond3A_41 {
        %add3A_406 = arith.addi %mul3A_4, %add3A_39 : i32
        %dma_start3A_407 = arith.constant 0 : i32
        %dma_start3A_408 = tpu.memref_slice %arg7[%add3A_406, %dma_start3A_407] : memref<4096x64xf32, #tpu.memory_space<vmem_shared>> -> memref<1x64xf32, #tpu.memory_space<vmem_shared>>
        %dma_start3A_409 = arith.constant 0 : i32
        %dma_start3A_410 = tpu.memref_slice %arg2[%reduce_sum3A_35, %dma_start3A_409] : memref<1000000x64xf32, #tpu.memory_space<hbm>> -> memref<1x64xf32, #tpu.memory_space<hbm>>
        tpu.enqueue_dma source(%dma_start3A_410 : memref<1x64xf32, #tpu.memory_space<hbm>>) target(%dma_start3A_408 : memref<1x64xf32, #tpu.memory_space<vmem_shared>>) target_semaphore(%arg10 : memref<!tpu.dma_semaphore, #tpu.memory_space<semaphore_mem>>)
      } else {
      }
      %ge3A = arith.constant 256 : i32
      %ge3A_42 = arith.cmpi sge, %add3A_39, %ge3A : i32
      %convert_element_type3A_43 = arith.extui %ge3A_42 : i1 to i32
      %cond3A_44 = arith.constant 0 : i32
      %cond3A_45 = arith.cmpi ne, %convert_element_type3A_43, %cond3A_44 : i32
      scf.if %cond3A_45 {
        %sub3A = arith.constant 256 : i32
        %sub3A_406 = arith.subi %add3A_39, %sub3A : i32
        %dma_start3A_407 = arith.constant 0 : i32
        %dma_start3A_408 = tpu.memref_slice %arg6[%sub3A_406, %dma_start3A_407] : memref<256x64xf32, #tpu.memory_space<vmem>> -> memref<1x64xf32, #tpu.memory_space<vmem>>
        %dma_start3A_409 = arith.constant 0 : i32
        %dma_start3A_410 = tpu.memref_slice %arg2[%reduce_sum3A_35, %dma_start3A_409] : memref<1000000x64xf32, #tpu.memory_space<hbm>> -> memref<1x64xf32, #tpu.memory_space<hbm>>
        %dma_start3A_411 = arith.constant 0 : i32
        %dma_start3A_412 = tpu.memref_slice %arg6[%sub3A_406, %dma_start3A_411] : memref<256x64xf32, #tpu.memory_space<vmem>> -> memref<1x64xf32, #tpu.memory_space<vmem>>
        %dma_start3A_413 = arith.constant 0 : i32
        %dma_start3A_414 = tpu.memref_slice %arg2[%reduce_sum3A_35, %dma_start3A_413] : memref<1000000x64xf32, #tpu.memory_space<hbm>> -> memref<1x64xf32, #tpu.memory_space<hbm>>
        tpu.enqueue_dma source(%dma_start3A_414 : memref<1x64xf32, #tpu.memory_space<hbm>>) target(%dma_start3A_412 : memref<1x64xf32, #tpu.memory_space<vmem>>) target_semaphore(%arg9 : memref<!tpu.dma_semaphore, #tpu.memory_space<semaphore_mem>>)
      } else {
      }
      %eq3A_46 = arith.constant 1 : i32
      %eq3A_47 = vector.broadcast %eq3A_46 : i32 to vector<16xi32>
      %eq3A_48 = arith.cmpi eq, %iota3A, %eq3A_47 : vector<16xi32>
      %jit3A_49 = arith.constant 0 : i32
      %broadcast_in_dim3A_50 = vector.broadcast %jit3A_49 : i32 to vector<16xi32>
      %select_n3A_51 = arith.select %eq3A_48, %get3A_30, %broadcast_in_dim3A_50 : vector<16xi1>, vector<16xi32>
      %reduce_sum3A_52 = arith.constant true
      %reduce_sum3A_53 = vector.broadcast %reduce_sum3A_52 : i1 to vector<16xi1>
      %reduce_sum3A_54 = tpu.scan <sum>, %select_n3A_51 masked %reduce_sum3A_53 : vector<16xi32>, vector<16xi1> -> vector<16xi32>
      %reduce_sum3A_55 = vector.extract %reduce_sum3A_54[15] : i32 from vector<16xi32>
      %mul3A_56 = arith.constant 16 : i32
      %mul3A_57 = arith.muli %add3A_27, %mul3A_56 : i32
      %add3A_58 = arith.constant 1 : i32
      %add3A_59 = arith.addi %mul3A_57, %add3A_58 : i32
      %lt3A_60 = arith.constant 256 : i32
      %lt3A_61 = arith.cmpi slt, %add3A_59, %lt3A_60 : i32
      %convert_element_type3A_62 = arith.extui %lt3A_61 : i1 to i32
      %cond3A_63 = arith.constant 0 : i32
      %cond3A_64 = arith.cmpi ne, %convert_element_type3A_62, %cond3A_63 : i32
      scf.if %cond3A_64 {
        %add3A_406 = arith.addi %mul3A_4, %add3A_59 : i32
        %dma_start3A_407 = arith.constant 0 : i32
        %dma_start3A_408 = tpu.memref_slice %arg7[%add3A_406, %dma_start3A_407] : memref<4096x64xf32, #tpu.memory_space<vmem_shared>> -> memref<1x64xf32, #tpu.memory_space<vmem_shared>>
        %dma_start3A_409 = arith.constant 0 : i32
        %dma_start3A_410 = tpu.memref_slice %arg2[%reduce_sum3A_55, %dma_start3A_409] : memref<1000000x64xf32, #tpu.memory_space<hbm>> -> memref<1x64xf32, #tpu.memory_space<hbm>>
        tpu.enqueue_dma source(%dma_start3A_410 : memref<1x64xf32, #tpu.memory_space<hbm>>) target(%dma_start3A_408 : memref<1x64xf32, #tpu.memory_space<vmem_shared>>) target_semaphore(%arg10 : memref<!tpu.dma_semaphore, #tpu.memory_space<semaphore_mem>>)
      } else {
      }
      %ge3A_65 = arith.constant 256 : i32
      %ge3A_66 = arith.cmpi sge, %add3A_59, %ge3A_65 : i32
      %convert_element_type3A_67 = arith.extui %ge3A_66 : i1 to i32
      %cond3A_68 = arith.constant 0 : i32
      %cond3A_69 = arith.cmpi ne, %convert_element_type3A_67, %cond3A_68 : i32
      scf.if %cond3A_69 {
        %sub3A = arith.constant 256 : i32
        %sub3A_406 = arith.subi %add3A_59, %sub3A : i32
        %dma_start3A_407 = arith.constant 0 : i32
        %dma_start3A_408 = tpu.memref_slice %arg6[%sub3A_406, %dma_start3A_407] : memref<256x64xf32, #tpu.memory_space<vmem>> -> memref<1x64xf32, #tpu.memory_space<vmem>>
        %dma_start3A_409 = arith.constant 0 : i32
        %dma_start3A_410 = tpu.memref_slice %arg2[%reduce_sum3A_55, %dma_start3A_409] : memref<1000000x64xf32, #tpu.memory_space<hbm>> -> memref<1x64xf32, #tpu.memory_space<hbm>>
        %dma_start3A_411 = arith.constant 0 : i32
        %dma_start3A_412 = tpu.memref_slice %arg6[%sub3A_406, %dma_start3A_411] : memref<256x64xf32, #tpu.memory_space<vmem>> -> memref<1x64xf32, #tpu.memory_space<vmem>>
        %dma_start3A_413 = arith.constant 0 : i32
        %dma_start3A_414 = tpu.memref_slice %arg2[%reduce_sum3A_55, %dma_start3A_413] : memref<1000000x64xf32, #tpu.memory_space<hbm>> -> memref<1x64xf32, #tpu.memory_space<hbm>>
        tpu.enqueue_dma source(%dma_start3A_414 : memref<1x64xf32, #tpu.memory_space<hbm>>) target(%dma_start3A_412 : memref<1x64xf32, #tpu.memory_space<vmem>>) target_semaphore(%arg9 : memref<!tpu.dma_semaphore, #tpu.memory_space<semaphore_mem>>)
      } else {
      }
      %eq3A_70 = arith.constant 2 : i32
      %eq3A_71 = vector.broadcast %eq3A_70 : i32 to vector<16xi32>
      %eq3A_72 = arith.cmpi eq, %iota3A, %eq3A_71 : vector<16xi32>
      %jit3A_73 = arith.constant 0 : i32
      %broadcast_in_dim3A_74 = vector.broadcast %jit3A_73 : i32 to vector<16xi32>
      %select_n3A_75 = arith.select %eq3A_72, %get3A_30, %broadcast_in_dim3A_74 : vector<16xi1>, vector<16xi32>
      %reduce_sum3A_76 = arith.constant true
      %reduce_sum3A_77 = vector.broadcast %reduce_sum3A_76 : i1 to vector<16xi1>
      %reduce_sum3A_78 = tpu.scan <sum>, %select_n3A_75 masked %reduce_sum3A_77 : vector<16xi32>, vector<16xi1> -> vector<16xi32>
      %reduce_sum3A_79 = vector.extract %reduce_sum3A_78[15] : i32 from vector<16xi32>
      %mul3A_80 = arith.constant 16 : i32
      %mul3A_81 = arith.muli %add3A_27, %mul3A_80 : i32
      %add3A_82 = arith.constant 2 : i32
      %add3A_83 = arith.addi %mul3A_81, %add3A_82 : i32
      %lt3A_84 = arith.constant 256 : i32
      %lt3A_85 = arith.cmpi slt, %add3A_83, %lt3A_84 : i32
      %convert_element_type3A_86 = arith.extui %lt3A_85 : i1 to i32
      %cond3A_87 = arith.constant 0 : i32
      %cond3A_88 = arith.cmpi ne, %convert_element_type3A_86, %cond3A_87 : i32
      scf.if %cond3A_88 {
        %add3A_406 = arith.addi %mul3A_4, %add3A_83 : i32
        %dma_start3A_407 = arith.constant 0 : i32
        %dma_start3A_408 = tpu.memref_slice %arg7[%add3A_406, %dma_start3A_407] : memref<4096x64xf32, #tpu.memory_space<vmem_shared>> -> memref<1x64xf32, #tpu.memory_space<vmem_shared>>
        %dma_start3A_409 = arith.constant 0 : i32
        %dma_start3A_410 = tpu.memref_slice %arg2[%reduce_sum3A_79, %dma_start3A_409] : memref<1000000x64xf32, #tpu.memory_space<hbm>> -> memref<1x64xf32, #tpu.memory_space<hbm>>
        tpu.enqueue_dma source(%dma_start3A_410 : memref<1x64xf32, #tpu.memory_space<hbm>>) target(%dma_start3A_408 : memref<1x64xf32, #tpu.memory_space<vmem_shared>>) target_semaphore(%arg10 : memref<!tpu.dma_semaphore, #tpu.memory_space<semaphore_mem>>)
      } else {
      }
      %ge3A_89 = arith.constant 256 : i32
      %ge3A_90 = arith.cmpi sge, %add3A_83, %ge3A_89 : i32
      %convert_element_type3A_91 = arith.extui %ge3A_90 : i1 to i32
      %cond3A_92 = arith.constant 0 : i32
      %cond3A_93 = arith.cmpi ne, %convert_element_type3A_91, %cond3A_92 : i32
      scf.if %cond3A_93 {
        %sub3A = arith.constant 256 : i32
        %sub3A_406 = arith.subi %add3A_83, %sub3A : i32
        %dma_start3A_407 = arith.constant 0 : i32
        %dma_start3A_408 = tpu.memref_slice %arg6[%sub3A_406, %dma_start3A_407] : memref<256x64xf32, #tpu.memory_space<vmem>> -> memref<1x64xf32, #tpu.memory_space<vmem>>
        %dma_start3A_409 = arith.constant 0 : i32
        %dma_start3A_410 = tpu.memref_slice %arg2[%reduce_sum3A_79, %dma_start3A_409] : memref<1000000x64xf32, #tpu.memory_space<hbm>> -> memref<1x64xf32, #tpu.memory_space<hbm>>
        %dma_start3A_411 = arith.constant 0 : i32
        %dma_start3A_412 = tpu.memref_slice %arg6[%sub3A_406, %dma_start3A_411] : memref<256x64xf32, #tpu.memory_space<vmem>> -> memref<1x64xf32, #tpu.memory_space<vmem>>
        %dma_start3A_413 = arith.constant 0 : i32
        %dma_start3A_414 = tpu.memref_slice %arg2[%reduce_sum3A_79, %dma_start3A_413] : memref<1000000x64xf32, #tpu.memory_space<hbm>> -> memref<1x64xf32, #tpu.memory_space<hbm>>
        tpu.enqueue_dma source(%dma_start3A_414 : memref<1x64xf32, #tpu.memory_space<hbm>>) target(%dma_start3A_412 : memref<1x64xf32, #tpu.memory_space<vmem>>) target_semaphore(%arg9 : memref<!tpu.dma_semaphore, #tpu.memory_space<semaphore_mem>>)
      } else {
      }
      %eq3A_94 = arith.constant 3 : i32
      %eq3A_95 = vector.broadcast %eq3A_94 : i32 to vector<16xi32>
      %eq3A_96 = arith.cmpi eq, %iota3A, %eq3A_95 : vector<16xi32>
      %jit3A_97 = arith.constant 0 : i32
      %broadcast_in_dim3A_98 = vector.broadcast %jit3A_97 : i32 to vector<16xi32>
      %select_n3A_99 = arith.select %eq3A_96, %get3A_30, %broadcast_in_dim3A_98 : vector<16xi1>, vector<16xi32>
      %reduce_sum3A_100 = arith.constant true
      %reduce_sum3A_101 = vector.broadcast %reduce_sum3A_100 : i1 to vector<16xi1>
      %reduce_sum3A_102 = tpu.scan <sum>, %select_n3A_99 masked %reduce_sum3A_101 : vector<16xi32>, vector<16xi1> -> vector<16xi32>
      %reduce_sum3A_103 = vector.extract %reduce_sum3A_102[15] : i32 from vector<16xi32>
      %mul3A_104 = arith.constant 16 : i32
      %mul3A_105 = arith.muli %add3A_27, %mul3A_104 : i32
      %add3A_106 = arith.constant 3 : i32
      %add3A_107 = arith.addi %mul3A_105, %add3A_106 : i32
      %lt3A_108 = arith.constant 256 : i32
      %lt3A_109 = arith.cmpi slt, %add3A_107, %lt3A_108 : i32
      %convert_element_type3A_110 = arith.extui %lt3A_109 : i1 to i32
      %cond3A_111 = arith.constant 0 : i32
      %cond3A_112 = arith.cmpi ne, %convert_element_type3A_110, %cond3A_111 : i32
      scf.if %cond3A_112 {
        %add3A_406 = arith.addi %mul3A_4, %add3A_107 : i32
        %dma_start3A_407 = arith.constant 0 : i32
        %dma_start3A_408 = tpu.memref_slice %arg7[%add3A_406, %dma_start3A_407] : memref<4096x64xf32, #tpu.memory_space<vmem_shared>> -> memref<1x64xf32, #tpu.memory_space<vmem_shared>>
        %dma_start3A_409 = arith.constant 0 : i32
        %dma_start3A_410 = tpu.memref_slice %arg2[%reduce_sum3A_103, %dma_start3A_409] : memref<1000000x64xf32, #tpu.memory_space<hbm>> -> memref<1x64xf32, #tpu.memory_space<hbm>>
        tpu.enqueue_dma source(%dma_start3A_410 : memref<1x64xf32, #tpu.memory_space<hbm>>) target(%dma_start3A_408 : memref<1x64xf32, #tpu.memory_space<vmem_shared>>) target_semaphore(%arg10 : memref<!tpu.dma_semaphore, #tpu.memory_space<semaphore_mem>>)
      } else {
      }
      %ge3A_113 = arith.constant 256 : i32
      %ge3A_114 = arith.cmpi sge, %add3A_107, %ge3A_113 : i32
      %convert_element_type3A_115 = arith.extui %ge3A_114 : i1 to i32
      %cond3A_116 = arith.constant 0 : i32
      %cond3A_117 = arith.cmpi ne, %convert_element_type3A_115, %cond3A_116 : i32
      scf.if %cond3A_117 {
        %sub3A = arith.constant 256 : i32
        %sub3A_406 = arith.subi %add3A_107, %sub3A : i32
        %dma_start3A_407 = arith.constant 0 : i32
        %dma_start3A_408 = tpu.memref_slice %arg6[%sub3A_406, %dma_start3A_407] : memref<256x64xf32, #tpu.memory_space<vmem>> -> memref<1x64xf32, #tpu.memory_space<vmem>>
        %dma_start3A_409 = arith.constant 0 : i32
        %dma_start3A_410 = tpu.memref_slice %arg2[%reduce_sum3A_103, %dma_start3A_409] : memref<1000000x64xf32, #tpu.memory_space<hbm>> -> memref<1x64xf32, #tpu.memory_space<hbm>>
        %dma_start3A_411 = arith.constant 0 : i32
        %dma_start3A_412 = tpu.memref_slice %arg6[%sub3A_406, %dma_start3A_411] : memref<256x64xf32, #tpu.memory_space<vmem>> -> memref<1x64xf32, #tpu.memory_space<vmem>>
        %dma_start3A_413 = arith.constant 0 : i32
        %dma_start3A_414 = tpu.memref_slice %arg2[%reduce_sum3A_103, %dma_start3A_413] : memref<1000000x64xf32, #tpu.memory_space<hbm>> -> memref<1x64xf32, #tpu.memory_space<hbm>>
        tpu.enqueue_dma source(%dma_start3A_414 : memref<1x64xf32, #tpu.memory_space<hbm>>) target(%dma_start3A_412 : memref<1x64xf32, #tpu.memory_space<vmem>>) target_semaphore(%arg9 : memref<!tpu.dma_semaphore, #tpu.memory_space<semaphore_mem>>)
      } else {
      }
      %eq3A_118 = arith.constant 4 : i32
      %eq3A_119 = vector.broadcast %eq3A_118 : i32 to vector<16xi32>
      %eq3A_120 = arith.cmpi eq, %iota3A, %eq3A_119 : vector<16xi32>
      %jit3A_121 = arith.constant 0 : i32
      %broadcast_in_dim3A_122 = vector.broadcast %jit3A_121 : i32 to vector<16xi32>
      %select_n3A_123 = arith.select %eq3A_120, %get3A_30, %broadcast_in_dim3A_122 : vector<16xi1>, vector<16xi32>
      %reduce_sum3A_124 = arith.constant true
      %reduce_sum3A_125 = vector.broadcast %reduce_sum3A_124 : i1 to vector<16xi1>
      %reduce_sum3A_126 = tpu.scan <sum>, %select_n3A_123 masked %reduce_sum3A_125 : vector<16xi32>, vector<16xi1> -> vector<16xi32>
      %reduce_sum3A_127 = vector.extract %reduce_sum3A_126[15] : i32 from vector<16xi32>
      %mul3A_128 = arith.constant 16 : i32
      %mul3A_129 = arith.muli %add3A_27, %mul3A_128 : i32
      %add3A_130 = arith.constant 4 : i32
      %add3A_131 = arith.addi %mul3A_129, %add3A_130 : i32
      %lt3A_132 = arith.constant 256 : i32
      %lt3A_133 = arith.cmpi slt, %add3A_131, %lt3A_132 : i32
      %convert_element_type3A_134 = arith.extui %lt3A_133 : i1 to i32
      %cond3A_135 = arith.constant 0 : i32
      %cond3A_136 = arith.cmpi ne, %convert_element_type3A_134, %cond3A_135 : i32
      scf.if %cond3A_136 {
        %add3A_406 = arith.addi %mul3A_4, %add3A_131 : i32
        %dma_start3A_407 = arith.constant 0 : i32
        %dma_start3A_408 = tpu.memref_slice %arg7[%add3A_406, %dma_start3A_407] : memref<4096x64xf32, #tpu.memory_space<vmem_shared>> -> memref<1x64xf32, #tpu.memory_space<vmem_shared>>
        %dma_start3A_409 = arith.constant 0 : i32
        %dma_start3A_410 = tpu.memref_slice %arg2[%reduce_sum3A_127, %dma_start3A_409] : memref<1000000x64xf32, #tpu.memory_space<hbm>> -> memref<1x64xf32, #tpu.memory_space<hbm>>
        tpu.enqueue_dma source(%dma_start3A_410 : memref<1x64xf32, #tpu.memory_space<hbm>>) target(%dma_start3A_408 : memref<1x64xf32, #tpu.memory_space<vmem_shared>>) target_semaphore(%arg10 : memref<!tpu.dma_semaphore, #tpu.memory_space<semaphore_mem>>)
      } else {
      }
      %ge3A_137 = arith.constant 256 : i32
      %ge3A_138 = arith.cmpi sge, %add3A_131, %ge3A_137 : i32
      %convert_element_type3A_139 = arith.extui %ge3A_138 : i1 to i32
      %cond3A_140 = arith.constant 0 : i32
      %cond3A_141 = arith.cmpi ne, %convert_element_type3A_139, %cond3A_140 : i32
      scf.if %cond3A_141 {
        %sub3A = arith.constant 256 : i32
        %sub3A_406 = arith.subi %add3A_131, %sub3A : i32
        %dma_start3A_407 = arith.constant 0 : i32
        %dma_start3A_408 = tpu.memref_slice %arg6[%sub3A_406, %dma_start3A_407] : memref<256x64xf32, #tpu.memory_space<vmem>> -> memref<1x64xf32, #tpu.memory_space<vmem>>
        %dma_start3A_409 = arith.constant 0 : i32
        %dma_start3A_410 = tpu.memref_slice %arg2[%reduce_sum3A_127, %dma_start3A_409] : memref<1000000x64xf32, #tpu.memory_space<hbm>> -> memref<1x64xf32, #tpu.memory_space<hbm>>
        %dma_start3A_411 = arith.constant 0 : i32
        %dma_start3A_412 = tpu.memref_slice %arg6[%sub3A_406, %dma_start3A_411] : memref<256x64xf32, #tpu.memory_space<vmem>> -> memref<1x64xf32, #tpu.memory_space<vmem>>
        %dma_start3A_413 = arith.constant 0 : i32
        %dma_start3A_414 = tpu.memref_slice %arg2[%reduce_sum3A_127, %dma_start3A_413] : memref<1000000x64xf32, #tpu.memory_space<hbm>> -> memref<1x64xf32, #tpu.memory_space<hbm>>
        tpu.enqueue_dma source(%dma_start3A_414 : memref<1x64xf32, #tpu.memory_space<hbm>>) target(%dma_start3A_412 : memref<1x64xf32, #tpu.memory_space<vmem>>) target_semaphore(%arg9 : memref<!tpu.dma_semaphore, #tpu.memory_space<semaphore_mem>>)
      } else {
      }
      %eq3A_142 = arith.constant 5 : i32
      %eq3A_143 = vector.broadcast %eq3A_142 : i32 to vector<16xi32>
      %eq3A_144 = arith.cmpi eq, %iota3A, %eq3A_143 : vector<16xi32>
      %jit3A_145 = arith.constant 0 : i32
      %broadcast_in_dim3A_146 = vector.broadcast %jit3A_145 : i32 to vector<16xi32>
      %select_n3A_147 = arith.select %eq3A_144, %get3A_30, %broadcast_in_dim3A_146 : vector<16xi1>, vector<16xi32>
      %reduce_sum3A_148 = arith.constant true
      %reduce_sum3A_149 = vector.broadcast %reduce_sum3A_148 : i1 to vector<16xi1>
      %reduce_sum3A_150 = tpu.scan <sum>, %select_n3A_147 masked %reduce_sum3A_149 : vector<16xi32>, vector<16xi1> -> vector<16xi32>
      %reduce_sum3A_151 = vector.extract %reduce_sum3A_150[15] : i32 from vector<16xi32>
      %mul3A_152 = arith.constant 16 : i32
      %mul3A_153 = arith.muli %add3A_27, %mul3A_152 : i32
      %add3A_154 = arith.constant 5 : i32
      %add3A_155 = arith.addi %mul3A_153, %add3A_154 : i32
      %lt3A_156 = arith.constant 256 : i32
      %lt3A_157 = arith.cmpi slt, %add3A_155, %lt3A_156 : i32
      %convert_element_type3A_158 = arith.extui %lt3A_157 : i1 to i32
      %cond3A_159 = arith.constant 0 : i32
      %cond3A_160 = arith.cmpi ne, %convert_element_type3A_158, %cond3A_159 : i32
      scf.if %cond3A_160 {
        %add3A_406 = arith.addi %mul3A_4, %add3A_155 : i32
        %dma_start3A_407 = arith.constant 0 : i32
        %dma_start3A_408 = tpu.memref_slice %arg7[%add3A_406, %dma_start3A_407] : memref<4096x64xf32, #tpu.memory_space<vmem_shared>> -> memref<1x64xf32, #tpu.memory_space<vmem_shared>>
        %dma_start3A_409 = arith.constant 0 : i32
        %dma_start3A_410 = tpu.memref_slice %arg2[%reduce_sum3A_151, %dma_start3A_409] : memref<1000000x64xf32, #tpu.memory_space<hbm>> -> memref<1x64xf32, #tpu.memory_space<hbm>>
        tpu.enqueue_dma source(%dma_start3A_410 : memref<1x64xf32, #tpu.memory_space<hbm>>) target(%dma_start3A_408 : memref<1x64xf32, #tpu.memory_space<vmem_shared>>) target_semaphore(%arg10 : memref<!tpu.dma_semaphore, #tpu.memory_space<semaphore_mem>>)
      } else {
      }
      %ge3A_161 = arith.constant 256 : i32
      %ge3A_162 = arith.cmpi sge, %add3A_155, %ge3A_161 : i32
      %convert_element_type3A_163 = arith.extui %ge3A_162 : i1 to i32
      %cond3A_164 = arith.constant 0 : i32
      %cond3A_165 = arith.cmpi ne, %convert_element_type3A_163, %cond3A_164 : i32
      scf.if %cond3A_165 {
        %sub3A = arith.constant 256 : i32
        %sub3A_406 = arith.subi %add3A_155, %sub3A : i32
        %dma_start3A_407 = arith.constant 0 : i32
        %dma_start3A_408 = tpu.memref_slice %arg6[%sub3A_406, %dma_start3A_407] : memref<256x64xf32, #tpu.memory_space<vmem>> -> memref<1x64xf32, #tpu.memory_space<vmem>>
        %dma_start3A_409 = arith.constant 0 : i32
        %dma_start3A_410 = tpu.memref_slice %arg2[%reduce_sum3A_151, %dma_start3A_409] : memref<1000000x64xf32, #tpu.memory_space<hbm>> -> memref<1x64xf32, #tpu.memory_space<hbm>>
        %dma_start3A_411 = arith.constant 0 : i32
        %dma_start3A_412 = tpu.memref_slice %arg6[%sub3A_406, %dma_start3A_411] : memref<256x64xf32, #tpu.memory_space<vmem>> -> memref<1x64xf32, #tpu.memory_space<vmem>>
        %dma_start3A_413 = arith.constant 0 : i32
        %dma_start3A_414 = tpu.memref_slice %arg2[%reduce_sum3A_151, %dma_start3A_413] : memref<1000000x64xf32, #tpu.memory_space<hbm>> -> memref<1x64xf32, #tpu.memory_space<hbm>>
        tpu.enqueue_dma source(%dma_start3A_414 : memref<1x64xf32, #tpu.memory_space<hbm>>) target(%dma_start3A_412 : memref<1x64xf32, #tpu.memory_space<vmem>>) target_semaphore(%arg9 : memref<!tpu.dma_semaphore, #tpu.memory_space<semaphore_mem>>)
      } else {
      }
      %eq3A_166 = arith.constant 6 : i32
      %eq3A_167 = vector.broadcast %eq3A_166 : i32 to vector<16xi32>
      %eq3A_168 = arith.cmpi eq, %iota3A, %eq3A_167 : vector<16xi32>
      %jit3A_169 = arith.constant 0 : i32
      %broadcast_in_dim3A_170 = vector.broadcast %jit3A_169 : i32 to vector<16xi32>
      %select_n3A_171 = arith.select %eq3A_168, %get3A_30, %broadcast_in_dim3A_170 : vector<16xi1>, vector<16xi32>
      %reduce_sum3A_172 = arith.constant true
      %reduce_sum3A_173 = vector.broadcast %reduce_sum3A_172 : i1 to vector<16xi1>
      %reduce_sum3A_174 = tpu.scan <sum>, %select_n3A_171 masked %reduce_sum3A_173 : vector<16xi32>, vector<16xi1> -> vector<16xi32>
      %reduce_sum3A_175 = vector.extract %reduce_sum3A_174[15] : i32 from vector<16xi32>
      %mul3A_176 = arith.constant 16 : i32
      %mul3A_177 = arith.muli %add3A_27, %mul3A_176 : i32
      %add3A_178 = arith.constant 6 : i32
      %add3A_179 = arith.addi %mul3A_177, %add3A_178 : i32
      %lt3A_180 = arith.constant 256 : i32
      %lt3A_181 = arith.cmpi slt, %add3A_179, %lt3A_180 : i32
      %convert_element_type3A_182 = arith.extui %lt3A_181 : i1 to i32
      %cond3A_183 = arith.constant 0 : i32
      %cond3A_184 = arith.cmpi ne, %convert_element_type3A_182, %cond3A_183 : i32
      scf.if %cond3A_184 {
        %add3A_406 = arith.addi %mul3A_4, %add3A_179 : i32
        %dma_start3A_407 = arith.constant 0 : i32
        %dma_start3A_408 = tpu.memref_slice %arg7[%add3A_406, %dma_start3A_407] : memref<4096x64xf32, #tpu.memory_space<vmem_shared>> -> memref<1x64xf32, #tpu.memory_space<vmem_shared>>
        %dma_start3A_409 = arith.constant 0 : i32
        %dma_start3A_410 = tpu.memref_slice %arg2[%reduce_sum3A_175, %dma_start3A_409] : memref<1000000x64xf32, #tpu.memory_space<hbm>> -> memref<1x64xf32, #tpu.memory_space<hbm>>
        tpu.enqueue_dma source(%dma_start3A_410 : memref<1x64xf32, #tpu.memory_space<hbm>>) target(%dma_start3A_408 : memref<1x64xf32, #tpu.memory_space<vmem_shared>>) target_semaphore(%arg10 : memref<!tpu.dma_semaphore, #tpu.memory_space<semaphore_mem>>)
      } else {
      }
      %ge3A_185 = arith.constant 256 : i32
      %ge3A_186 = arith.cmpi sge, %add3A_179, %ge3A_185 : i32
      %convert_element_type3A_187 = arith.extui %ge3A_186 : i1 to i32
      %cond3A_188 = arith.constant 0 : i32
      %cond3A_189 = arith.cmpi ne, %convert_element_type3A_187, %cond3A_188 : i32
      scf.if %cond3A_189 {
        %sub3A = arith.constant 256 : i32
        %sub3A_406 = arith.subi %add3A_179, %sub3A : i32
        %dma_start3A_407 = arith.constant 0 : i32
        %dma_start3A_408 = tpu.memref_slice %arg6[%sub3A_406, %dma_start3A_407] : memref<256x64xf32, #tpu.memory_space<vmem>> -> memref<1x64xf32, #tpu.memory_space<vmem>>
        %dma_start3A_409 = arith.constant 0 : i32
        %dma_start3A_410 = tpu.memref_slice %arg2[%reduce_sum3A_175, %dma_start3A_409] : memref<1000000x64xf32, #tpu.memory_space<hbm>> -> memref<1x64xf32, #tpu.memory_space<hbm>>
        %dma_start3A_411 = arith.constant 0 : i32
        %dma_start3A_412 = tpu.memref_slice %arg6[%sub3A_406, %dma_start3A_411] : memref<256x64xf32, #tpu.memory_space<vmem>> -> memref<1x64xf32, #tpu.memory_space<vmem>>
        %dma_start3A_413 = arith.constant 0 : i32
        %dma_start3A_414 = tpu.memref_slice %arg2[%reduce_sum3A_175, %dma_start3A_413] : memref<1000000x64xf32, #tpu.memory_space<hbm>> -> memref<1x64xf32, #tpu.memory_space<hbm>>
        tpu.enqueue_dma source(%dma_start3A_414 : memref<1x64xf32, #tpu.memory_space<hbm>>) target(%dma_start3A_412 : memref<1x64xf32, #tpu.memory_space<vmem>>) target_semaphore(%arg9 : memref<!tpu.dma_semaphore, #tpu.memory_space<semaphore_mem>>)
      } else {
      }
      %eq3A_190 = arith.constant 7 : i32
      %eq3A_191 = vector.broadcast %eq3A_190 : i32 to vector<16xi32>
      %eq3A_192 = arith.cmpi eq, %iota3A, %eq3A_191 : vector<16xi32>
      %jit3A_193 = arith.constant 0 : i32
      %broadcast_in_dim3A_194 = vector.broadcast %jit3A_193 : i32 to vector<16xi32>
      %select_n3A_195 = arith.select %eq3A_192, %get3A_30, %broadcast_in_dim3A_194 : vector<16xi1>, vector<16xi32>
      %reduce_sum3A_196 = arith.constant true
      %reduce_sum3A_197 = vector.broadcast %reduce_sum3A_196 : i1 to vector<16xi1>
      %reduce_sum3A_198 = tpu.scan <sum>, %select_n3A_195 masked %reduce_sum3A_197 : vector<16xi32>, vector<16xi1> -> vector<16xi32>
      %reduce_sum3A_199 = vector.extract %reduce_sum3A_198[15] : i32 from vector<16xi32>
      %mul3A_200 = arith.constant 16 : i32
      %mul3A_201 = arith.muli %add3A_27, %mul3A_200 : i32
      %add3A_202 = arith.constant 7 : i32
      %add3A_203 = arith.addi %mul3A_201, %add3A_202 : i32
      %lt3A_204 = arith.constant 256 : i32
      %lt3A_205 = arith.cmpi slt, %add3A_203, %lt3A_204 : i32
      %convert_element_type3A_206 = arith.extui %lt3A_205 : i1 to i32
      %cond3A_207 = arith.constant 0 : i32
      %cond3A_208 = arith.cmpi ne, %convert_element_type3A_206, %cond3A_207 : i32
      scf.if %cond3A_208 {
        %add3A_406 = arith.addi %mul3A_4, %add3A_203 : i32
        %dma_start3A_407 = arith.constant 0 : i32
        %dma_start3A_408 = tpu.memref_slice %arg7[%add3A_406, %dma_start3A_407] : memref<4096x64xf32, #tpu.memory_space<vmem_shared>> -> memref<1x64xf32, #tpu.memory_space<vmem_shared>>
        %dma_start3A_409 = arith.constant 0 : i32
        %dma_start3A_410 = tpu.memref_slice %arg2[%reduce_sum3A_199, %dma_start3A_409] : memref<1000000x64xf32, #tpu.memory_space<hbm>> -> memref<1x64xf32, #tpu.memory_space<hbm>>
        tpu.enqueue_dma source(%dma_start3A_410 : memref<1x64xf32, #tpu.memory_space<hbm>>) target(%dma_start3A_408 : memref<1x64xf32, #tpu.memory_space<vmem_shared>>) target_semaphore(%arg10 : memref<!tpu.dma_semaphore, #tpu.memory_space<semaphore_mem>>)
      } else {
      }
      %ge3A_209 = arith.constant 256 : i32
      %ge3A_210 = arith.cmpi sge, %add3A_203, %ge3A_209 : i32
      %convert_element_type3A_211 = arith.extui %ge3A_210 : i1 to i32
      %cond3A_212 = arith.constant 0 : i32
      %cond3A_213 = arith.cmpi ne, %convert_element_type3A_211, %cond3A_212 : i32
      scf.if %cond3A_213 {
        %sub3A = arith.constant 256 : i32
        %sub3A_406 = arith.subi %add3A_203, %sub3A : i32
        %dma_start3A_407 = arith.constant 0 : i32
        %dma_start3A_408 = tpu.memref_slice %arg6[%sub3A_406, %dma_start3A_407] : memref<256x64xf32, #tpu.memory_space<vmem>> -> memref<1x64xf32, #tpu.memory_space<vmem>>
        %dma_start3A_409 = arith.constant 0 : i32
        %dma_start3A_410 = tpu.memref_slice %arg2[%reduce_sum3A_199, %dma_start3A_409] : memref<1000000x64xf32, #tpu.memory_space<hbm>> -> memref<1x64xf32, #tpu.memory_space<hbm>>
        %dma_start3A_411 = arith.constant 0 : i32
        %dma_start3A_412 = tpu.memref_slice %arg6[%sub3A_406, %dma_start3A_411] : memref<256x64xf32, #tpu.memory_space<vmem>> -> memref<1x64xf32, #tpu.memory_space<vmem>>
        %dma_start3A_413 = arith.constant 0 : i32
        %dma_start3A_414 = tpu.memref_slice %arg2[%reduce_sum3A_199, %dma_start3A_413] : memref<1000000x64xf32, #tpu.memory_space<hbm>> -> memref<1x64xf32, #tpu.memory_space<hbm>>
        tpu.enqueue_dma source(%dma_start3A_414 : memref<1x64xf32, #tpu.memory_space<hbm>>) target(%dma_start3A_412 : memref<1x64xf32, #tpu.memory_space<vmem>>) target_semaphore(%arg9 : memref<!tpu.dma_semaphore, #tpu.memory_space<semaphore_mem>>)
      } else {
      }
      %eq3A_214 = arith.constant 8 : i32
      %eq3A_215 = vector.broadcast %eq3A_214 : i32 to vector<16xi32>
      %eq3A_216 = arith.cmpi eq, %iota3A, %eq3A_215 : vector<16xi32>
      %jit3A_217 = arith.constant 0 : i32
      %broadcast_in_dim3A_218 = vector.broadcast %jit3A_217 : i32 to vector<16xi32>
      %select_n3A_219 = arith.select %eq3A_216, %get3A_30, %broadcast_in_dim3A_218 : vector<16xi1>, vector<16xi32>
      %reduce_sum3A_220 = arith.constant true
      %reduce_sum3A_221 = vector.broadcast %reduce_sum3A_220 : i1 to vector<16xi1>
      %reduce_sum3A_222 = tpu.scan <sum>, %select_n3A_219 masked %reduce_sum3A_221 : vector<16xi32>, vector<16xi1> -> vector<16xi32>
      %reduce_sum3A_223 = vector.extract %reduce_sum3A_222[15] : i32 from vector<16xi32>
      %mul3A_224 = arith.constant 16 : i32
      %mul3A_225 = arith.muli %add3A_27, %mul3A_224 : i32
      %add3A_226 = arith.constant 8 : i32
      %add3A_227 = arith.addi %mul3A_225, %add3A_226 : i32
      %lt3A_228 = arith.constant 256 : i32
      %lt3A_229 = arith.cmpi slt, %add3A_227, %lt3A_228 : i32
      %convert_element_type3A_230 = arith.extui %lt3A_229 : i1 to i32
      %cond3A_231 = arith.constant 0 : i32
      %cond3A_232 = arith.cmpi ne, %convert_element_type3A_230, %cond3A_231 : i32
      scf.if %cond3A_232 {
        %add3A_406 = arith.addi %mul3A_4, %add3A_227 : i32
        %dma_start3A_407 = arith.constant 0 : i32
        %dma_start3A_408 = tpu.memref_slice %arg7[%add3A_406, %dma_start3A_407] : memref<4096x64xf32, #tpu.memory_space<vmem_shared>> -> memref<1x64xf32, #tpu.memory_space<vmem_shared>>
        %dma_start3A_409 = arith.constant 0 : i32
        %dma_start3A_410 = tpu.memref_slice %arg2[%reduce_sum3A_223, %dma_start3A_409] : memref<1000000x64xf32, #tpu.memory_space<hbm>> -> memref<1x64xf32, #tpu.memory_space<hbm>>
        tpu.enqueue_dma source(%dma_start3A_410 : memref<1x64xf32, #tpu.memory_space<hbm>>) target(%dma_start3A_408 : memref<1x64xf32, #tpu.memory_space<vmem_shared>>) target_semaphore(%arg10 : memref<!tpu.dma_semaphore, #tpu.memory_space<semaphore_mem>>)
      } else {
      }
      %ge3A_233 = arith.constant 256 : i32
      %ge3A_234 = arith.cmpi sge, %add3A_227, %ge3A_233 : i32
      %convert_element_type3A_235 = arith.extui %ge3A_234 : i1 to i32
      %cond3A_236 = arith.constant 0 : i32
      %cond3A_237 = arith.cmpi ne, %convert_element_type3A_235, %cond3A_236 : i32
      scf.if %cond3A_237 {
        %sub3A = arith.constant 256 : i32
        %sub3A_406 = arith.subi %add3A_227, %sub3A : i32
        %dma_start3A_407 = arith.constant 0 : i32
        %dma_start3A_408 = tpu.memref_slice %arg6[%sub3A_406, %dma_start3A_407] : memref<256x64xf32, #tpu.memory_space<vmem>> -> memref<1x64xf32, #tpu.memory_space<vmem>>
        %dma_start3A_409 = arith.constant 0 : i32
        %dma_start3A_410 = tpu.memref_slice %arg2[%reduce_sum3A_223, %dma_start3A_409] : memref<1000000x64xf32, #tpu.memory_space<hbm>> -> memref<1x64xf32, #tpu.memory_space<hbm>>
        %dma_start3A_411 = arith.constant 0 : i32
        %dma_start3A_412 = tpu.memref_slice %arg6[%sub3A_406, %dma_start3A_411] : memref<256x64xf32, #tpu.memory_space<vmem>> -> memref<1x64xf32, #tpu.memory_space<vmem>>
        %dma_start3A_413 = arith.constant 0 : i32
        %dma_start3A_414 = tpu.memref_slice %arg2[%reduce_sum3A_223, %dma_start3A_413] : memref<1000000x64xf32, #tpu.memory_space<hbm>> -> memref<1x64xf32, #tpu.memory_space<hbm>>
        tpu.enqueue_dma source(%dma_start3A_414 : memref<1x64xf32, #tpu.memory_space<hbm>>) target(%dma_start3A_412 : memref<1x64xf32, #tpu.memory_space<vmem>>) target_semaphore(%arg9 : memref<!tpu.dma_semaphore, #tpu.memory_space<semaphore_mem>>)
      } else {
      }
      %eq3A_238 = arith.constant 9 : i32
      %eq3A_239 = vector.broadcast %eq3A_238 : i32 to vector<16xi32>
      %eq3A_240 = arith.cmpi eq, %iota3A, %eq3A_239 : vector<16xi32>
      %jit3A_241 = arith.constant 0 : i32
      %broadcast_in_dim3A_242 = vector.broadcast %jit3A_241 : i32 to vector<16xi32>
      %select_n3A_243 = arith.select %eq3A_240, %get3A_30, %broadcast_in_dim3A_242 : vector<16xi1>, vector<16xi32>
      %reduce_sum3A_244 = arith.constant true
      %reduce_sum3A_245 = vector.broadcast %reduce_sum3A_244 : i1 to vector<16xi1>
      %reduce_sum3A_246 = tpu.scan <sum>, %select_n3A_243 masked %reduce_sum3A_245 : vector<16xi32>, vector<16xi1> -> vector<16xi32>
      %reduce_sum3A_247 = vector.extract %reduce_sum3A_246[15] : i32 from vector<16xi32>
      %mul3A_248 = arith.constant 16 : i32
      %mul3A_249 = arith.muli %add3A_27, %mul3A_248 : i32
      %add3A_250 = arith.constant 9 : i32
      %add3A_251 = arith.addi %mul3A_249, %add3A_250 : i32
      %lt3A_252 = arith.constant 256 : i32
      %lt3A_253 = arith.cmpi slt, %add3A_251, %lt3A_252 : i32
      %convert_element_type3A_254 = arith.extui %lt3A_253 : i1 to i32
      %cond3A_255 = arith.constant 0 : i32
      %cond3A_256 = arith.cmpi ne, %convert_element_type3A_254, %cond3A_255 : i32
      scf.if %cond3A_256 {
        %add3A_406 = arith.addi %mul3A_4, %add3A_251 : i32
        %dma_start3A_407 = arith.constant 0 : i32
        %dma_start3A_408 = tpu.memref_slice %arg7[%add3A_406, %dma_start3A_407] : memref<4096x64xf32, #tpu.memory_space<vmem_shared>> -> memref<1x64xf32, #tpu.memory_space<vmem_shared>>
        %dma_start3A_409 = arith.constant 0 : i32
        %dma_start3A_410 = tpu.memref_slice %arg2[%reduce_sum3A_247, %dma_start3A_409] : memref<1000000x64xf32, #tpu.memory_space<hbm>> -> memref<1x64xf32, #tpu.memory_space<hbm>>
        tpu.enqueue_dma source(%dma_start3A_410 : memref<1x64xf32, #tpu.memory_space<hbm>>) target(%dma_start3A_408 : memref<1x64xf32, #tpu.memory_space<vmem_shared>>) target_semaphore(%arg10 : memref<!tpu.dma_semaphore, #tpu.memory_space<semaphore_mem>>)
      } else {
      }
      %ge3A_257 = arith.constant 256 : i32
      %ge3A_258 = arith.cmpi sge, %add3A_251, %ge3A_257 : i32
      %convert_element_type3A_259 = arith.extui %ge3A_258 : i1 to i32
      %cond3A_260 = arith.constant 0 : i32
      %cond3A_261 = arith.cmpi ne, %convert_element_type3A_259, %cond3A_260 : i32
      scf.if %cond3A_261 {
        %sub3A = arith.constant 256 : i32
        %sub3A_406 = arith.subi %add3A_251, %sub3A : i32
        %dma_start3A_407 = arith.constant 0 : i32
        %dma_start3A_408 = tpu.memref_slice %arg6[%sub3A_406, %dma_start3A_407] : memref<256x64xf32, #tpu.memory_space<vmem>> -> memref<1x64xf32, #tpu.memory_space<vmem>>
        %dma_start3A_409 = arith.constant 0 : i32
        %dma_start3A_410 = tpu.memref_slice %arg2[%reduce_sum3A_247, %dma_start3A_409] : memref<1000000x64xf32, #tpu.memory_space<hbm>> -> memref<1x64xf32, #tpu.memory_space<hbm>>
        %dma_start3A_411 = arith.constant 0 : i32
        %dma_start3A_412 = tpu.memref_slice %arg6[%sub3A_406, %dma_start3A_411] : memref<256x64xf32, #tpu.memory_space<vmem>> -> memref<1x64xf32, #tpu.memory_space<vmem>>
        %dma_start3A_413 = arith.constant 0 : i32
        %dma_start3A_414 = tpu.memref_slice %arg2[%reduce_sum3A_247, %dma_start3A_413] : memref<1000000x64xf32, #tpu.memory_space<hbm>> -> memref<1x64xf32, #tpu.memory_space<hbm>>
        tpu.enqueue_dma source(%dma_start3A_414 : memref<1x64xf32, #tpu.memory_space<hbm>>) target(%dma_start3A_412 : memref<1x64xf32, #tpu.memory_space<vmem>>) target_semaphore(%arg9 : memref<!tpu.dma_semaphore, #tpu.memory_space<semaphore_mem>>)
      } else {
      }
      %eq3A_262 = arith.constant 10 : i32
      %eq3A_263 = vector.broadcast %eq3A_262 : i32 to vector<16xi32>
      %eq3A_264 = arith.cmpi eq, %iota3A, %eq3A_263 : vector<16xi32>
      %jit3A_265 = arith.constant 0 : i32
      %broadcast_in_dim3A_266 = vector.broadcast %jit3A_265 : i32 to vector<16xi32>
      %select_n3A_267 = arith.select %eq3A_264, %get3A_30, %broadcast_in_dim3A_266 : vector<16xi1>, vector<16xi32>
      %reduce_sum3A_268 = arith.constant true
      %reduce_sum3A_269 = vector.broadcast %reduce_sum3A_268 : i1 to vector<16xi1>
      %reduce_sum3A_270 = tpu.scan <sum>, %select_n3A_267 masked %reduce_sum3A_269 : vector<16xi32>, vector<16xi1> -> vector<16xi32>
      %reduce_sum3A_271 = vector.extract %reduce_sum3A_270[15] : i32 from vector<16xi32>
      %mul3A_272 = arith.constant 16 : i32
      %mul3A_273 = arith.muli %add3A_27, %mul3A_272 : i32
      %add3A_274 = arith.constant 10 : i32
      %add3A_275 = arith.addi %mul3A_273, %add3A_274 : i32
      %lt3A_276 = arith.constant 256 : i32
      %lt3A_277 = arith.cmpi slt, %add3A_275, %lt3A_276 : i32
      %convert_element_type3A_278 = arith.extui %lt3A_277 : i1 to i32
      %cond3A_279 = arith.constant 0 : i32
      %cond3A_280 = arith.cmpi ne, %convert_element_type3A_278, %cond3A_279 : i32
      scf.if %cond3A_280 {
        %add3A_406 = arith.addi %mul3A_4, %add3A_275 : i32
        %dma_start3A_407 = arith.constant 0 : i32
        %dma_start3A_408 = tpu.memref_slice %arg7[%add3A_406, %dma_start3A_407] : memref<4096x64xf32, #tpu.memory_space<vmem_shared>> -> memref<1x64xf32, #tpu.memory_space<vmem_shared>>
        %dma_start3A_409 = arith.constant 0 : i32
        %dma_start3A_410 = tpu.memref_slice %arg2[%reduce_sum3A_271, %dma_start3A_409] : memref<1000000x64xf32, #tpu.memory_space<hbm>> -> memref<1x64xf32, #tpu.memory_space<hbm>>
        tpu.enqueue_dma source(%dma_start3A_410 : memref<1x64xf32, #tpu.memory_space<hbm>>) target(%dma_start3A_408 : memref<1x64xf32, #tpu.memory_space<vmem_shared>>) target_semaphore(%arg10 : memref<!tpu.dma_semaphore, #tpu.memory_space<semaphore_mem>>)
      } else {
      }
      %ge3A_281 = arith.constant 256 : i32
      %ge3A_282 = arith.cmpi sge, %add3A_275, %ge3A_281 : i32
      %convert_element_type3A_283 = arith.extui %ge3A_282 : i1 to i32
      %cond3A_284 = arith.constant 0 : i32
      %cond3A_285 = arith.cmpi ne, %convert_element_type3A_283, %cond3A_284 : i32
      scf.if %cond3A_285 {
        %sub3A = arith.constant 256 : i32
        %sub3A_406 = arith.subi %add3A_275, %sub3A : i32
        %dma_start3A_407 = arith.constant 0 : i32
        %dma_start3A_408 = tpu.memref_slice %arg6[%sub3A_406, %dma_start3A_407] : memref<256x64xf32, #tpu.memory_space<vmem>> -> memref<1x64xf32, #tpu.memory_space<vmem>>
        %dma_start3A_409 = arith.constant 0 : i32
        %dma_start3A_410 = tpu.memref_slice %arg2[%reduce_sum3A_271, %dma_start3A_409] : memref<1000000x64xf32, #tpu.memory_space<hbm>> -> memref<1x64xf32, #tpu.memory_space<hbm>>
        %dma_start3A_411 = arith.constant 0 : i32
        %dma_start3A_412 = tpu.memref_slice %arg6[%sub3A_406, %dma_start3A_411] : memref<256x64xf32, #tpu.memory_space<vmem>> -> memref<1x64xf32, #tpu.memory_space<vmem>>
        %dma_start3A_413 = arith.constant 0 : i32
        %dma_start3A_414 = tpu.memref_slice %arg2[%reduce_sum3A_271, %dma_start3A_413] : memref<1000000x64xf32, #tpu.memory_space<hbm>> -> memref<1x64xf32, #tpu.memory_space<hbm>>
        tpu.enqueue_dma source(%dma_start3A_414 : memref<1x64xf32, #tpu.memory_space<hbm>>) target(%dma_start3A_412 : memref<1x64xf32, #tpu.memory_space<vmem>>) target_semaphore(%arg9 : memref<!tpu.dma_semaphore, #tpu.memory_space<semaphore_mem>>)
      } else {
      }
      %eq3A_286 = arith.constant 11 : i32
      %eq3A_287 = vector.broadcast %eq3A_286 : i32 to vector<16xi32>
      %eq3A_288 = arith.cmpi eq, %iota3A, %eq3A_287 : vector<16xi32>
      %jit3A_289 = arith.constant 0 : i32
      %broadcast_in_dim3A_290 = vector.broadcast %jit3A_289 : i32 to vector<16xi32>
      %select_n3A_291 = arith.select %eq3A_288, %get3A_30, %broadcast_in_dim3A_290 : vector<16xi1>, vector<16xi32>
      %reduce_sum3A_292 = arith.constant true
      %reduce_sum3A_293 = vector.broadcast %reduce_sum3A_292 : i1 to vector<16xi1>
      %reduce_sum3A_294 = tpu.scan <sum>, %select_n3A_291 masked %reduce_sum3A_293 : vector<16xi32>, vector<16xi1> -> vector<16xi32>
      %reduce_sum3A_295 = vector.extract %reduce_sum3A_294[15] : i32 from vector<16xi32>
      %mul3A_296 = arith.constant 16 : i32
      %mul3A_297 = arith.muli %add3A_27, %mul3A_296 : i32
      %add3A_298 = arith.constant 11 : i32
      %add3A_299 = arith.addi %mul3A_297, %add3A_298 : i32
      %lt3A_300 = arith.constant 256 : i32
      %lt3A_301 = arith.cmpi slt, %add3A_299, %lt3A_300 : i32
      %convert_element_type3A_302 = arith.extui %lt3A_301 : i1 to i32
      %cond3A_303 = arith.constant 0 : i32
      %cond3A_304 = arith.cmpi ne, %convert_element_type3A_302, %cond3A_303 : i32
      scf.if %cond3A_304 {
        %add3A_406 = arith.addi %mul3A_4, %add3A_299 : i32
        %dma_start3A_407 = arith.constant 0 : i32
        %dma_start3A_408 = tpu.memref_slice %arg7[%add3A_406, %dma_start3A_407] : memref<4096x64xf32, #tpu.memory_space<vmem_shared>> -> memref<1x64xf32, #tpu.memory_space<vmem_shared>>
        %dma_start3A_409 = arith.constant 0 : i32
        %dma_start3A_410 = tpu.memref_slice %arg2[%reduce_sum3A_295, %dma_start3A_409] : memref<1000000x64xf32, #tpu.memory_space<hbm>> -> memref<1x64xf32, #tpu.memory_space<hbm>>
        tpu.enqueue_dma source(%dma_start3A_410 : memref<1x64xf32, #tpu.memory_space<hbm>>) target(%dma_start3A_408 : memref<1x64xf32, #tpu.memory_space<vmem_shared>>) target_semaphore(%arg10 : memref<!tpu.dma_semaphore, #tpu.memory_space<semaphore_mem>>)
      } else {
      }
      %ge3A_305 = arith.constant 256 : i32
      %ge3A_306 = arith.cmpi sge, %add3A_299, %ge3A_305 : i32
      %convert_element_type3A_307 = arith.extui %ge3A_306 : i1 to i32
      %cond3A_308 = arith.constant 0 : i32
      %cond3A_309 = arith.cmpi ne, %convert_element_type3A_307, %cond3A_308 : i32
      scf.if %cond3A_309 {
        %sub3A = arith.constant 256 : i32
        %sub3A_406 = arith.subi %add3A_299, %sub3A : i32
        %dma_start3A_407 = arith.constant 0 : i32
        %dma_start3A_408 = tpu.memref_slice %arg6[%sub3A_406, %dma_start3A_407] : memref<256x64xf32, #tpu.memory_space<vmem>> -> memref<1x64xf32, #tpu.memory_space<vmem>>
        %dma_start3A_409 = arith.constant 0 : i32
        %dma_start3A_410 = tpu.memref_slice %arg2[%reduce_sum3A_295, %dma_start3A_409] : memref<1000000x64xf32, #tpu.memory_space<hbm>> -> memref<1x64xf32, #tpu.memory_space<hbm>>
        %dma_start3A_411 = arith.constant 0 : i32
        %dma_start3A_412 = tpu.memref_slice %arg6[%sub3A_406, %dma_start3A_411] : memref<256x64xf32, #tpu.memory_space<vmem>> -> memref<1x64xf32, #tpu.memory_space<vmem>>
        %dma_start3A_413 = arith.constant 0 : i32
        %dma_start3A_414 = tpu.memref_slice %arg2[%reduce_sum3A_295, %dma_start3A_413] : memref<1000000x64xf32, #tpu.memory_space<hbm>> -> memref<1x64xf32, #tpu.memory_space<hbm>>
        tpu.enqueue_dma source(%dma_start3A_414 : memref<1x64xf32, #tpu.memory_space<hbm>>) target(%dma_start3A_412 : memref<1x64xf32, #tpu.memory_space<vmem>>) target_semaphore(%arg9 : memref<!tpu.dma_semaphore, #tpu.memory_space<semaphore_mem>>)
      } else {
      }
      %eq3A_310 = arith.constant 12 : i32
      %eq3A_311 = vector.broadcast %eq3A_310 : i32 to vector<16xi32>
      %eq3A_312 = arith.cmpi eq, %iota3A, %eq3A_311 : vector<16xi32>
      %jit3A_313 = arith.constant 0 : i32
      %broadcast_in_dim3A_314 = vector.broadcast %jit3A_313 : i32 to vector<16xi32>
      %select_n3A_315 = arith.select %eq3A_312, %get3A_30, %broadcast_in_dim3A_314 : vector<16xi1>, vector<16xi32>
      %reduce_sum3A_316 = arith.constant true
      %reduce_sum3A_317 = vector.broadcast %reduce_sum3A_316 : i1 to vector<16xi1>
      %reduce_sum3A_318 = tpu.scan <sum>, %select_n3A_315 masked %reduce_sum3A_317 : vector<16xi32>, vector<16xi1> -> vector<16xi32>
      %reduce_sum3A_319 = vector.extract %reduce_sum3A_318[15] : i32 from vector<16xi32>
      %mul3A_320 = arith.constant 16 : i32
      %mul3A_321 = arith.muli %add3A_27, %mul3A_320 : i32
      %add3A_322 = arith.constant 12 : i32
      %add3A_323 = arith.addi %mul3A_321, %add3A_322 : i32
      %lt3A_324 = arith.constant 256 : i32
      %lt3A_325 = arith.cmpi slt, %add3A_323, %lt3A_324 : i32
      %convert_element_type3A_326 = arith.extui %lt3A_325 : i1 to i32
      %cond3A_327 = arith.constant 0 : i32
      %cond3A_328 = arith.cmpi ne, %convert_element_type3A_326, %cond3A_327 : i32
      scf.if %cond3A_328 {
        %add3A_406 = arith.addi %mul3A_4, %add3A_323 : i32
        %dma_start3A_407 = arith.constant 0 : i32
        %dma_start3A_408 = tpu.memref_slice %arg7[%add3A_406, %dma_start3A_407] : memref<4096x64xf32, #tpu.memory_space<vmem_shared>> -> memref<1x64xf32, #tpu.memory_space<vmem_shared>>
        %dma_start3A_409 = arith.constant 0 : i32
        %dma_start3A_410 = tpu.memref_slice %arg2[%reduce_sum3A_319, %dma_start3A_409] : memref<1000000x64xf32, #tpu.memory_space<hbm>> -> memref<1x64xf32, #tpu.memory_space<hbm>>
        tpu.enqueue_dma source(%dma_start3A_410 : memref<1x64xf32, #tpu.memory_space<hbm>>) target(%dma_start3A_408 : memref<1x64xf32, #tpu.memory_space<vmem_shared>>) target_semaphore(%arg10 : memref<!tpu.dma_semaphore, #tpu.memory_space<semaphore_mem>>)
      } else {
      }
      %ge3A_329 = arith.constant 256 : i32
      %ge3A_330 = arith.cmpi sge, %add3A_323, %ge3A_329 : i32
      %convert_element_type3A_331 = arith.extui %ge3A_330 : i1 to i32
      %cond3A_332 = arith.constant 0 : i32
      %cond3A_333 = arith.cmpi ne, %convert_element_type3A_331, %cond3A_332 : i32
      scf.if %cond3A_333 {
        %sub3A = arith.constant 256 : i32
        %sub3A_406 = arith.subi %add3A_323, %sub3A : i32
        %dma_start3A_407 = arith.constant 0 : i32
        %dma_start3A_408 = tpu.memref_slice %arg6[%sub3A_406, %dma_start3A_407] : memref<256x64xf32, #tpu.memory_space<vmem>> -> memref<1x64xf32, #tpu.memory_space<vmem>>
        %dma_start3A_409 = arith.constant 0 : i32
        %dma_start3A_410 = tpu.memref_slice %arg2[%reduce_sum3A_319, %dma_start3A_409] : memref<1000000x64xf32, #tpu.memory_space<hbm>> -> memref<1x64xf32, #tpu.memory_space<hbm>>
        %dma_start3A_411 = arith.constant 0 : i32
        %dma_start3A_412 = tpu.memref_slice %arg6[%sub3A_406, %dma_start3A_411] : memref<256x64xf32, #tpu.memory_space<vmem>> -> memref<1x64xf32, #tpu.memory_space<vmem>>
        %dma_start3A_413 = arith.constant 0 : i32
        %dma_start3A_414 = tpu.memref_slice %arg2[%reduce_sum3A_319, %dma_start3A_413] : memref<1000000x64xf32, #tpu.memory_space<hbm>> -> memref<1x64xf32, #tpu.memory_space<hbm>>
        tpu.enqueue_dma source(%dma_start3A_414 : memref<1x64xf32, #tpu.memory_space<hbm>>) target(%dma_start3A_412 : memref<1x64xf32, #tpu.memory_space<vmem>>) target_semaphore(%arg9 : memref<!tpu.dma_semaphore, #tpu.memory_space<semaphore_mem>>)
      } else {
      }
      %eq3A_334 = arith.constant 13 : i32
      %eq3A_335 = vector.broadcast %eq3A_334 : i32 to vector<16xi32>
      %eq3A_336 = arith.cmpi eq, %iota3A, %eq3A_335 : vector<16xi32>
      %jit3A_337 = arith.constant 0 : i32
      %broadcast_in_dim3A_338 = vector.broadcast %jit3A_337 : i32 to vector<16xi32>
      %select_n3A_339 = arith.select %eq3A_336, %get3A_30, %broadcast_in_dim3A_338 : vector<16xi1>, vector<16xi32>
      %reduce_sum3A_340 = arith.constant true
      %reduce_sum3A_341 = vector.broadcast %reduce_sum3A_340 : i1 to vector<16xi1>
      %reduce_sum3A_342 = tpu.scan <sum>, %select_n3A_339 masked %reduce_sum3A_341 : vector<16xi32>, vector<16xi1> -> vector<16xi32>
      %reduce_sum3A_343 = vector.extract %reduce_sum3A_342[15] : i32 from vector<16xi32>
      %mul3A_344 = arith.constant 16 : i32
      %mul3A_345 = arith.muli %add3A_27, %mul3A_344 : i32
      %add3A_346 = arith.constant 13 : i32
      %add3A_347 = arith.addi %mul3A_345, %add3A_346 : i32
      %lt3A_348 = arith.constant 256 : i32
      %lt3A_349 = arith.cmpi slt, %add3A_347, %lt3A_348 : i32
      %convert_element_type3A_350 = arith.extui %lt3A_349 : i1 to i32
      %cond3A_351 = arith.constant 0 : i32
      %cond3A_352 = arith.cmpi ne, %convert_element_type3A_350, %cond3A_351 : i32
      scf.if %cond3A_352 {
        %add3A_406 = arith.addi %mul3A_4, %add3A_347 : i32
        %dma_start3A_407 = arith.constant 0 : i32
        %dma_start3A_408 = tpu.memref_slice %arg7[%add3A_406, %dma_start3A_407] : memref<4096x64xf32, #tpu.memory_space<vmem_shared>> -> memref<1x64xf32, #tpu.memory_space<vmem_shared>>
        %dma_start3A_409 = arith.constant 0 : i32
        %dma_start3A_410 = tpu.memref_slice %arg2[%reduce_sum3A_343, %dma_start3A_409] : memref<1000000x64xf32, #tpu.memory_space<hbm>> -> memref<1x64xf32, #tpu.memory_space<hbm>>
        tpu.enqueue_dma source(%dma_start3A_410 : memref<1x64xf32, #tpu.memory_space<hbm>>) target(%dma_start3A_408 : memref<1x64xf32, #tpu.memory_space<vmem_shared>>) target_semaphore(%arg10 : memref<!tpu.dma_semaphore, #tpu.memory_space<semaphore_mem>>)
      } else {
      }
      %ge3A_353 = arith.constant 256 : i32
      %ge3A_354 = arith.cmpi sge, %add3A_347, %ge3A_353 : i32
      %convert_element_type3A_355 = arith.extui %ge3A_354 : i1 to i32
      %cond3A_356 = arith.constant 0 : i32
      %cond3A_357 = arith.cmpi ne, %convert_element_type3A_355, %cond3A_356 : i32
      scf.if %cond3A_357 {
        %sub3A = arith.constant 256 : i32
        %sub3A_406 = arith.subi %add3A_347, %sub3A : i32
        %dma_start3A_407 = arith.constant 0 : i32
        %dma_start3A_408 = tpu.memref_slice %arg6[%sub3A_406, %dma_start3A_407] : memref<256x64xf32, #tpu.memory_space<vmem>> -> memref<1x64xf32, #tpu.memory_space<vmem>>
        %dma_start3A_409 = arith.constant 0 : i32
        %dma_start3A_410 = tpu.memref_slice %arg2[%reduce_sum3A_343, %dma_start3A_409] : memref<1000000x64xf32, #tpu.memory_space<hbm>> -> memref<1x64xf32, #tpu.memory_space<hbm>>
        %dma_start3A_411 = arith.constant 0 : i32
        %dma_start3A_412 = tpu.memref_slice %arg6[%sub3A_406, %dma_start3A_411] : memref<256x64xf32, #tpu.memory_space<vmem>> -> memref<1x64xf32, #tpu.memory_space<vmem>>
        %dma_start3A_413 = arith.constant 0 : i32
        %dma_start3A_414 = tpu.memref_slice %arg2[%reduce_sum3A_343, %dma_start3A_413] : memref<1000000x64xf32, #tpu.memory_space<hbm>> -> memref<1x64xf32, #tpu.memory_space<hbm>>
        tpu.enqueue_dma source(%dma_start3A_414 : memref<1x64xf32, #tpu.memory_space<hbm>>) target(%dma_start3A_412 : memref<1x64xf32, #tpu.memory_space<vmem>>) target_semaphore(%arg9 : memref<!tpu.dma_semaphore, #tpu.memory_space<semaphore_mem>>)
      } else {
      }
      %eq3A_358 = arith.constant 14 : i32
      %eq3A_359 = vector.broadcast %eq3A_358 : i32 to vector<16xi32>
      %eq3A_360 = arith.cmpi eq, %iota3A, %eq3A_359 : vector<16xi32>
      %jit3A_361 = arith.constant 0 : i32
      %broadcast_in_dim3A_362 = vector.broadcast %jit3A_361 : i32 to vector<16xi32>
      %select_n3A_363 = arith.select %eq3A_360, %get3A_30, %broadcast_in_dim3A_362 : vector<16xi1>, vector<16xi32>
      %reduce_sum3A_364 = arith.constant true
      %reduce_sum3A_365 = vector.broadcast %reduce_sum3A_364 : i1 to vector<16xi1>
      %reduce_sum3A_366 = tpu.scan <sum>, %select_n3A_363 masked %reduce_sum3A_365 : vector<16xi32>, vector<16xi1> -> vector<16xi32>
      %reduce_sum3A_367 = vector.extract %reduce_sum3A_366[15] : i32 from vector<16xi32>
      %mul3A_368 = arith.constant 16 : i32
      %mul3A_369 = arith.muli %add3A_27, %mul3A_368 : i32
      %add3A_370 = arith.constant 14 : i32
      %add3A_371 = arith.addi %mul3A_369, %add3A_370 : i32
      %lt3A_372 = arith.constant 256 : i32
      %lt3A_373 = arith.cmpi slt, %add3A_371, %lt3A_372 : i32
      %convert_element_type3A_374 = arith.extui %lt3A_373 : i1 to i32
      %cond3A_375 = arith.constant 0 : i32
      %cond3A_376 = arith.cmpi ne, %convert_element_type3A_374, %cond3A_375 : i32
      scf.if %cond3A_376 {
        %add3A_406 = arith.addi %mul3A_4, %add3A_371 : i32
        %dma_start3A_407 = arith.constant 0 : i32
        %dma_start3A_408 = tpu.memref_slice %arg7[%add3A_406, %dma_start3A_407] : memref<4096x64xf32, #tpu.memory_space<vmem_shared>> -> memref<1x64xf32, #tpu.memory_space<vmem_shared>>
        %dma_start3A_409 = arith.constant 0 : i32
        %dma_start3A_410 = tpu.memref_slice %arg2[%reduce_sum3A_367, %dma_start3A_409] : memref<1000000x64xf32, #tpu.memory_space<hbm>> -> memref<1x64xf32, #tpu.memory_space<hbm>>
        tpu.enqueue_dma source(%dma_start3A_410 : memref<1x64xf32, #tpu.memory_space<hbm>>) target(%dma_start3A_408 : memref<1x64xf32, #tpu.memory_space<vmem_shared>>) target_semaphore(%arg10 : memref<!tpu.dma_semaphore, #tpu.memory_space<semaphore_mem>>)
      } else {
      }
      %ge3A_377 = arith.constant 256 : i32
      %ge3A_378 = arith.cmpi sge, %add3A_371, %ge3A_377 : i32
      %convert_element_type3A_379 = arith.extui %ge3A_378 : i1 to i32
      %cond3A_380 = arith.constant 0 : i32
      %cond3A_381 = arith.cmpi ne, %convert_element_type3A_379, %cond3A_380 : i32
      scf.if %cond3A_381 {
        %sub3A = arith.constant 256 : i32
        %sub3A_406 = arith.subi %add3A_371, %sub3A : i32
        %dma_start3A_407 = arith.constant 0 : i32
        %dma_start3A_408 = tpu.memref_slice %arg6[%sub3A_406, %dma_start3A_407] : memref<256x64xf32, #tpu.memory_space<vmem>> -> memref<1x64xf32, #tpu.memory_space<vmem>>
        %dma_start3A_409 = arith.constant 0 : i32
        %dma_start3A_410 = tpu.memref_slice %arg2[%reduce_sum3A_367, %dma_start3A_409] : memref<1000000x64xf32, #tpu.memory_space<hbm>> -> memref<1x64xf32, #tpu.memory_space<hbm>>
        %dma_start3A_411 = arith.constant 0 : i32
        %dma_start3A_412 = tpu.memref_slice %arg6[%sub3A_406, %dma_start3A_411] : memref<256x64xf32, #tpu.memory_space<vmem>> -> memref<1x64xf32, #tpu.memory_space<vmem>>
        %dma_start3A_413 = arith.constant 0 : i32
        %dma_start3A_414 = tpu.memref_slice %arg2[%reduce_sum3A_367, %dma_start3A_413] : memref<1000000x64xf32, #tpu.memory_space<hbm>> -> memref<1x64xf32, #tpu.memory_space<hbm>>
        tpu.enqueue_dma source(%dma_start3A_414 : memref<1x64xf32, #tpu.memory_space<hbm>>) target(%dma_start3A_412 : memref<1x64xf32, #tpu.memory_space<vmem>>) target_semaphore(%arg9 : memref<!tpu.dma_semaphore, #tpu.memory_space<semaphore_mem>>)
      } else {
      }
      %eq3A_382 = arith.constant 15 : i32
      %eq3A_383 = vector.broadcast %eq3A_382 : i32 to vector<16xi32>
      %eq3A_384 = arith.cmpi eq, %iota3A, %eq3A_383 : vector<16xi32>
      %jit3A_385 = arith.constant 0 : i32
      %broadcast_in_dim3A_386 = vector.broadcast %jit3A_385 : i32 to vector<16xi32>
      %select_n3A_387 = arith.select %eq3A_384, %get3A_30, %broadcast_in_dim3A_386 : vector<16xi1>, vector<16xi32>
      %reduce_sum3A_388 = arith.constant true
      %reduce_sum3A_389 = vector.broadcast %reduce_sum3A_388 : i1 to vector<16xi1>
      %reduce_sum3A_390 = tpu.scan <sum>, %select_n3A_387 masked %reduce_sum3A_389 : vector<16xi32>, vector<16xi1> -> vector<16xi32>
      %reduce_sum3A_391 = vector.extract %reduce_sum3A_390[15] : i32 from vector<16xi32>
      %mul3A_392 = arith.constant 16 : i32
      %mul3A_393 = arith.muli %add3A_27, %mul3A_392 : i32
      %add3A_394 = arith.constant 15 : i32
      %add3A_395 = arith.addi %mul3A_393, %add3A_394 : i32
      %lt3A_396 = arith.constant 256 : i32
      %lt3A_397 = arith.cmpi slt, %add3A_395, %lt3A_396 : i32
      %convert_element_type3A_398 = arith.extui %lt3A_397 : i1 to i32
      %cond3A_399 = arith.constant 0 : i32
      %cond3A_400 = arith.cmpi ne, %convert_element_type3A_398, %cond3A_399 : i32
      scf.if %cond3A_400 {
        %add3A_406 = arith.addi %mul3A_4, %add3A_395 : i32
        %dma_start3A_407 = arith.constant 0 : i32
        %dma_start3A_408 = tpu.memref_slice %arg7[%add3A_406, %dma_start3A_407] : memref<4096x64xf32, #tpu.memory_space<vmem_shared>> -> memref<1x64xf32, #tpu.memory_space<vmem_shared>>
        %dma_start3A_409 = arith.constant 0 : i32
        %dma_start3A_410 = tpu.memref_slice %arg2[%reduce_sum3A_391, %dma_start3A_409] : memref<1000000x64xf32, #tpu.memory_space<hbm>> -> memref<1x64xf32, #tpu.memory_space<hbm>>
        tpu.enqueue_dma source(%dma_start3A_410 : memref<1x64xf32, #tpu.memory_space<hbm>>) target(%dma_start3A_408 : memref<1x64xf32, #tpu.memory_space<vmem_shared>>) target_semaphore(%arg10 : memref<!tpu.dma_semaphore, #tpu.memory_space<semaphore_mem>>)
      } else {
      }
      %ge3A_401 = arith.constant 256 : i32
      %ge3A_402 = arith.cmpi sge, %add3A_395, %ge3A_401 : i32
      %convert_element_type3A_403 = arith.extui %ge3A_402 : i1 to i32
      %cond3A_404 = arith.constant 0 : i32
      %cond3A_405 = arith.cmpi ne, %convert_element_type3A_403, %cond3A_404 : i32
      scf.if %cond3A_405 {
        %sub3A = arith.constant 256 : i32
        %sub3A_406 = arith.subi %add3A_395, %sub3A : i32
        %dma_start3A_407 = arith.constant 0 : i32
        %dma_start3A_408 = tpu.memref_slice %arg6[%sub3A_406, %dma_start3A_407] : memref<256x64xf32, #tpu.memory_space<vmem>> -> memref<1x64xf32, #tpu.memory_space<vmem>>
        %dma_start3A_409 = arith.constant 0 : i32
        %dma_start3A_410 = tpu.memref_slice %arg2[%reduce_sum3A_391, %dma_start3A_409] : memref<1000000x64xf32, #tpu.memory_space<hbm>> -> memref<1x64xf32, #tpu.memory_space<hbm>>
        %dma_start3A_411 = arith.constant 0 : i32
        %dma_start3A_412 = tpu.memref_slice %arg6[%sub3A_406, %dma_start3A_411] : memref<256x64xf32, #tpu.memory_space<vmem>> -> memref<1x64xf32, #tpu.memory_space<vmem>>
        %dma_start3A_413 = arith.constant 0 : i32
        %dma_start3A_414 = tpu.memref_slice %arg2[%reduce_sum3A_391, %dma_start3A_413] : memref<1000000x64xf32, #tpu.memory_space<hbm>> -> memref<1x64xf32, #tpu.memory_space<hbm>>
        tpu.enqueue_dma source(%dma_start3A_414 : memref<1x64xf32, #tpu.memory_space<hbm>>) target(%dma_start3A_412 : memref<1x64xf32, #tpu.memory_space<vmem>>) target_semaphore(%arg9 : memref<!tpu.dma_semaphore, #tpu.memory_space<semaphore_mem>>)
      } else {
      }
    }
    %scan3A_10 = arith.constant 32 : i32
    %scan3A_11 = arith.constant 0 : i32
    %scan3A_12 = arith.constant 256 : i32
    %scan3A_13 = arith.addi %scan3A_11, %scan3A_12 : i32
    %scan3A_14 = arith.constant 1 : i32
    scf.for %scan3A_23 = %scan3A_11 to %scan3A_13 step %scan3A_14  : i32 {
      %mul3A_24 = arith.constant 1 : i32
      %mul3A_25 = arith.muli %scan3A_23, %mul3A_24 : i32
      %add3A_26 = arith.constant 0 : i32
      %add3A_27 = arith.addi %add3A_26, %mul3A_25 : i32
      %add3A_28 = arith.addi %mul3A_4, %add3A_27 : i32
      %dma_wait3A_29 = arith.constant 0 : i32
      %dma_wait3A_30 = tpu.memref_slice %arg7[%add3A_28, %dma_wait3A_29] : memref<4096x64xf32, #tpu.memory_space<vmem_shared>> -> memref<1x64xf32, #tpu.memory_space<vmem_shared>>
      %dma_wait3A_31 = arith.constant 0 : i32
      %dma_wait3A_32 = arith.constant 0 : i32
      %dma_wait3A_33 = tpu.memref_slice %arg2[%dma_wait3A_31, %dma_wait3A_32] : memref<1000000x64xf32, #tpu.memory_space<hbm>> -> memref<1x64xf32, #tpu.memory_space<hbm>>
      tpu.wait_dma2 semaphore(%arg10 : memref<!tpu.dma_semaphore, #tpu.memory_space<semaphore_mem>>) src(%dma_wait3A_33 : memref<1x64xf32, #tpu.memory_space<hbm>>) dst(%dma_wait3A_30 : memref<1x64xf32, #tpu.memory_space<vmem_shared>>)
    }
    %scan3A_15 = arith.constant 256 : i32
    %scan3A_16 = arith.constant 0 : i32
    %scan3A_17 = arith.constant 256 : i32
    %scan3A_18 = arith.addi %scan3A_16, %scan3A_17 : i32
    %scan3A_19 = arith.constant 1 : i32
    scf.for %scan3A_23 = %scan3A_16 to %scan3A_18 step %scan3A_19  : i32 {
      %mul3A_24 = arith.constant 1 : i32
      %mul3A_25 = arith.muli %scan3A_23, %mul3A_24 : i32
      %add3A_26 = arith.constant 0 : i32
      %add3A_27 = arith.addi %add3A_26, %mul3A_25 : i32
      %dma_wait3A_28 = arith.constant 0 : i32
      %dma_wait3A_29 = tpu.memref_slice %arg6[%add3A_27, %dma_wait3A_28] : memref<256x64xf32, #tpu.memory_space<vmem>> -> memref<1x64xf32, #tpu.memory_space<vmem>>
      %dma_wait3A_30 = arith.constant 0 : i32
      %dma_wait3A_31 = arith.constant 0 : i32
      %dma_wait3A_32 = tpu.memref_slice %arg2[%dma_wait3A_30, %dma_wait3A_31] : memref<1000000x64xf32, #tpu.memory_space<hbm>> -> memref<1x64xf32, #tpu.memory_space<hbm>>
      %dma_wait3A_33 = arith.constant 0 : i32
      %dma_wait3A_34 = tpu.memref_slice %arg6[%add3A_27, %dma_wait3A_33] : memref<256x64xf32, #tpu.memory_space<vmem>> -> memref<1x64xf32, #tpu.memory_space<vmem>>
      %dma_wait3A_35 = arith.constant 0 : i32
      %dma_wait3A_36 = arith.constant 0 : i32
      %dma_wait3A_37 = tpu.memref_slice %arg2[%dma_wait3A_35, %dma_wait3A_36] : memref<1000000x64xf32, #tpu.memory_space<hbm>> -> memref<1x64xf32, #tpu.memory_space<hbm>>
      tpu.wait_dma2 semaphore(%arg9 : memref<!tpu.dma_semaphore, #tpu.memory_space<semaphore_mem>>) src(%dma_wait3A_37 : memref<1x64xf32, #tpu.memory_space<hbm>>) dst(%dma_wait3A_34 : memref<1x64xf32, #tpu.memory_space<vmem>>)
    }
    %scan3A_20 = arith.constant 256 : i32
    "tpu.region"() ({
      %run_scoped3A = tpu.sem_alloc : memref<!tpu.dma_semaphore, #tpu.memory_space<semaphore_mem>>
      %dma_start3A_23 = arith.constant 0 : i32
      %dma_start3A_24 = tpu.memref_slice %arg4[%mul3A_2, %dma_start3A_23] : memref<16384x64xf32, #tpu.memory_space<hbm>> -> memref<256x64xf32, #tpu.memory_space<hbm>>
      %dma_start3A_25 = arith.constant 0 : i32
      %dma_start3A_26 = tpu.memref_slice %arg7[%mul3A_4, %dma_start3A_25] : memref<4096x64xf32, #tpu.memory_space<vmem_shared>> -> memref<256x64xf32, #tpu.memory_space<vmem_shared>>
      tpu.enqueue_dma source(%dma_start3A_26 : memref<256x64xf32, #tpu.memory_space<vmem_shared>>) target(%dma_start3A_24 : memref<256x64xf32, #tpu.memory_space<hbm>>) target_semaphore(%run_scoped3A : memref<!tpu.dma_semaphore, #tpu.memory_space<semaphore_mem>>)
      %dma_wait3A_27 = arith.constant 0 : i32
      %dma_wait3A_28 = tpu.memref_slice %arg4[%mul3A_2, %dma_wait3A_27] : memref<16384x64xf32, #tpu.memory_space<hbm>> -> memref<256x64xf32, #tpu.memory_space<hbm>>
      %dma_wait3A_29 = arith.constant 0 : i32
      %dma_wait3A_30 = tpu.memref_slice %arg7[%mul3A_4, %dma_wait3A_29] : memref<4096x64xf32, #tpu.memory_space<vmem_shared>> -> memref<256x64xf32, #tpu.memory_space<vmem_shared>>
      tpu.wait_dma2 semaphore(%run_scoped3A : memref<!tpu.dma_semaphore, #tpu.memory_space<semaphore_mem>>) src(%dma_wait3A_30 : memref<256x64xf32, #tpu.memory_space<vmem_shared>>) dst(%dma_wait3A_28 : memref<256x64xf32, #tpu.memory_space<hbm>>)
      tpu.yield
    }) : () -> ()
    %add3A_21 = arith.constant 256 : i32
    %add3A_22 = arith.addi %mul3A_2, %add3A_21 : i32
    "tpu.region"() ({
      %run_scoped3A = tpu.sem_alloc : memref<!tpu.dma_semaphore, #tpu.memory_space<semaphore_mem>>
      %dma_start3A_23 = arith.constant 0 : i32
      %dma_start3A_24 = tpu.memref_slice %arg4[%add3A_22, %dma_start3A_23] : memref<16384x64xf32, #tpu.memory_space<hbm>> -> memref<256x64xf32, #tpu.memory_space<hbm>>
      %dma_start3A_25 = arith.constant 0 : i32
      %dma_start3A_26 = tpu.memref_slice %arg4[%add3A_22, %dma_start3A_25] : memref<16384x64xf32, #tpu.memory_space<hbm>> -> memref<256x64xf32, #tpu.memory_space<hbm>>
      tpu.enqueue_dma source(%arg6 : memref<256x64xf32, #tpu.memory_space<vmem>>) target(%dma_start3A_26 : memref<256x64xf32, #tpu.memory_space<hbm>>) target_semaphore(%run_scoped3A : memref<!tpu.dma_semaphore, #tpu.memory_space<semaphore_mem>>)
      %dma_wait3A_27 = arith.constant 0 : i32
      %dma_wait3A_28 = tpu.memref_slice %arg4[%add3A_22, %dma_wait3A_27] : memref<16384x64xf32, #tpu.memory_space<hbm>> -> memref<256x64xf32, #tpu.memory_space<hbm>>
      %dma_wait3A_29 = arith.constant 0 : i32
      %dma_wait3A_30 = tpu.memref_slice %arg4[%add3A_22, %dma_wait3A_29] : memref<16384x64xf32, #tpu.memory_space<hbm>> -> memref<256x64xf32, #tpu.memory_space<hbm>>
      tpu.wait_dma2 semaphore(%run_scoped3A : memref<!tpu.dma_semaphore, #tpu.memory_space<semaphore_mem>>) src(%arg6 : memref<256x64xf32, #tpu.memory_space<vmem>>) dst(%dma_wait3A_30 : memref<256x64xf32, #tpu.memory_space<hbm>>)
      tpu.yield
    }) : () -> ()
    return
  }
}

</mosaic_0001>

<sc_bundles>
// kernel: kernel.3.cloned.1.call-start
scs
__scs_entry_jumppad:
0x0: {  	(pc) =	sbr.rel $0x88, $3  }
0x1: {  	(tag) =	ssettag $0x0;
	lr =	simm.s32 $0x1  }
0x2: {  	[smem:$0x3F9F] =	sst lr;
	_ =	strace $0xD0000000  }
0x3: {  	_ = 	snop  }
0x4: {  	_ = 	snop  }
0x5: {  	_ = 	snop  }
0x6: {  	_ = 	snop  }
0x7: {  	_ = 	snop  }
__scs_overlays_trampoline_lowered:
0x8: {  	[smem:$0x3FAE] =	sst s0  }
0x9: {  	[smem:$0x3FAF] =	sst s1  }
0xa: {  	[smem:$0x3FB0] =	sst s2  }
0xb: {  	[smem:$0x3FB1] =	sst s3  }
0xc: {  	[smem:$0x3FB2] =	sst s4  }
0xd: {  	[smem:$0x3FB3] =	sst s5  }
0xe: {  	[smem:$0x3FB4] =	sst s6  }
0xf: {  	[smem:$0x3FB5] =	sst s7  }
0x10: {  	[smem:$0x3FB6] =	sst s8  }
0x11: {  	[smem:$0x3FB7] =	sst s9;
	s0 =	simm.s32 @!p0 $0x0  }
0x12: {  	s1 =	sld [smem:$0x3F9D];
	s0 =	simm.s32 @p0 $0x1  }
0x13: {  	[smem:$0x3FB8] =	sst s0;
	s0 =	simm.s32 @!p1 $0x0  }
0x14: {  	s2 =	sld [smem:$0x3F9C];
	s0 =	simm.s32 @p1 $0x1  }
0x15: {  	[smem:$0x3FB9] =	sst s0;
	s0 =	simm.s32 @!p2 $0x0  }
0x16: {  	s3 =	sld [smem:$0x3FDB];
	s0 =	simm.s32 @p2 $0x1  }
0x17: {  	s4 =	simm.s32 $0x1BF5;
	[smem:$0x3FBB] =	sst s0  }
0x18: {  	s0 =	sld [smem:$0x3F9E];
	_ =	swait.ge [sflag:s4], $0x0  }
0x19: {  	s7 =	sld [smem:$0x3F9F]  }
0x1a: {  	s8 =	sadd.s32 $0xFFFFE003, lr  }
0x1b: {  	s9 =	sadd.s32 $0xFFFFFEF7, lr;
	s5 =	simm.s32 $0xFFFFFFFF;
	p2 =	slt.u32 s8, $0xFFFFF086  }
0x1c: {  	p1 =	slt.u32 s9, $0xF7A;
	s5 =	simm.s32 @!p2 $0x0  }
0x1d: {  	s5 =	simm.s32 @p1 $0x1;
	p0 =	seq.s32 s7, s2  }
0x1e: {  	s7 =	smul.u32 @!p0 $0xF7A, s2;
	p2 =	seq.s32 @!p0 s5, $0x0  }
0x1f: {  	s9 =	smul.u32 $0xF7A, s1;
	s8 =	simm.s32 @!p0 $0x1BF5;
	p2 =	por !p2, p0  }
0x20: {  	[sflag:s8] =	ssyncset.s32 @!p0 $0xFFFFF086;
	s6 =	sadd.s32 @!p0 s3, s7;
	s7 =	simm.s32 @!p0 $0x108  }
0x21: {  	s3 =	sadd.s32 s3, s9;
	s6 =	sadd.s32 @!p0 $0x88, s6;
	s7 =	simm.s32 @p2 $0x1082  }
0x22: {  	[simem:s7], [sflag:s8] =	dma.local @!p0 [hbm:s6], $0xF7A  }
0x23: {  	s9 =	sor.u32 $0xD0000000, s2;
	s6 =	simm.s32 $0x108;
	_ =	swait.ge @!p0 [sflag:s8], $0x0  }
0x24: {  	s3 =	sadd.s32 $0x88, s3;
	s6 =	simm.s32 @!p1 $0x1082;
	[sflag:s4] =	ssyncset.s32 $0xFFFFF086  }
0x25: {  	[simem:s6], [sflag:s4] =	dma.local [hbm:s3], $0xF7A  }
0x26: {  	[smem:$0x3F9F] =	sst s1;
	(tag) =	ssettag s2;
	_ =	strace s9  }
0x27: {  	s1 =	sld [smem:$0x3FAF]  }
0x28: {  	s2 =	sld [smem:$0x3FB0]  }
0x29: {  	s4 =	sld [smem:$0x3FB2]  }
0x2a: {  	p0 =	seq.s32 s5, $0x0;
	s5 =	sld [smem:$0x3FB3]  }
0x2b: {  	s6 =	sld [smem:$0x3FB4]  }
0x2c: {  	s7 =	sld [smem:$0x3FB5]  }
0x2d: {  	s3 =	simm.s32 $0x108;
	s8 =	sld [smem:$0x3FB6]  }
0x2e: {  	s3 =	simm.s32 @!p0 $0x1082;
	s9 =	sld [smem:$0x3FB7]  }
0x2f: {  	lr =	sadd.s32 s0, s3;
	s0 =	sld [smem:$0x3FAE]  }
0x30: {  	s3 =	sld [smem:$0x3FB1]  }
0x31: {  	[smem:$0x3FBA] =	sst s10  }
0x32: {  	s10 =	sld [smem:$0x3FB8];
	_ =	sdelay $0x3  }
0x33: {  	p0 =	seq.s32 s10, $0x1;
	s10 =	sld [smem:$0x3FBA];
	_ =	sdelay $0x3  }
0x34: {  	[smem:$0x3FBA] =	sst s10  }
0x35: {  	s10 =	sld [smem:$0x3FB9];
	_ =	sdelay $0x3  }
0x36: {  	p1 =	seq.s32 s10, $0x1;
	s10 =	sld [smem:$0x3FBA];
	_ =	sdelay $0x3  }
0x37: {  	[smem:$0x3FBA] =	sst s10  }
0x38: {  	s10 =	sld [smem:$0x3FBB]  }
0x39: {  	_ = 	snop;
	(pc) =	sbr.ind lr, $3  }
0x3a: {  	_ = 	snop  }
0x3b: {  	_ = 	snop  }
0x3c: {  	p2 =	seq.s32 s10, $0x1;
	s10 =	sld [smem:$0x3FBA]  }
0x3d: {  	_ =	shalt  }
0x3e: {  	_ =	shalt  }
0x3f: {  	_ =	shalt  }
0x40: {  	_ =	shalt  }
0x41: {  	_ =	shalt  }
0x42: {  	_ =	shalt  }
0x43: {  	_ =	shalt  }
0x44: {  	_ =	shalt  }
0x45: {  	_ =	shalt  }
0x46: {  	_ =	shalt  }
0x47: {  	_ =	shalt  }
0x48: {  	_ =	shalt  }
0x49: {  	_ =	shalt  }
0x4a: {  	_ =	shalt  }
0x4b: {  	_ =	shalt  }
0x4c: {  	_ =	shalt  }
0x4d: {  	_ =	shalt  }
0x4e: {  	_ =	shalt  }
0x4f: {  	_ =	shalt  }
0x50: {  	_ =	shalt  }
0x51: {  	_ =	shalt  }
0x52: {  	_ =	shalt  }
0x53: {  	_ =	shalt  }
0x54: {  	_ =	shalt  }
0x55: {  	_ =	shalt  }
0x56: {  	_ =	shalt  }
0x57: {  	_ =	shalt  }
0x58: {  	_ =	shalt  }
0x59: {  	_ =	shalt  }
0x5a: {  	_ =	shalt  }
0x5b: {  	_ =	shalt  }
0x5c: {  	_ =	shalt  }
0x5d: {  	_ =	shalt  }
0x5e: {  	_ =	shalt  }
0x5f: {  	_ =	shalt  }
0x60: {  	_ =	shalt  }
0x61: {  	_ =	shalt  }
0x62: {  	_ =	shalt  }
0x63: {  	_ =	shalt  }
0x64: {  	_ =	shalt  }
0x65: {  	_ =	shalt  }
0x66: {  	_ =	shalt  }
0x67: {  	_ =	shalt  }
0x68: {  	_ =	shalt  }
0x69: {  	_ =	shalt  }
0x6a: {  	_ =	shalt  }
0x6b: {  	_ =	shalt  }
0x6c: {  	_ =	shalt  }
0x6d: {  	_ =	shalt  }
0x6e: {  	_ =	shalt  }
0x6f: {  	_ =	shalt  }
0x70: {  	_ =	shalt  }
0x71: {  	_ =	shalt  }
0x72: {  	_ =	shalt  }
0x73: {  	_ =	shalt  }
0x74: {  	_ =	shalt  }
0x75: {  	_ =	shalt  }
0x76: {  	_ =	shalt  }
0x77: {  	_ =	shalt  }
0x78: {  	_ =	shalt  }
0x79: {  	_ =	shalt  }
0x7a: {  	_ =	shalt  }
0x7b: {  	_ =	shalt  }
0x7c: {  	_ =	shalt  }
0x7d: {  	_ =	shalt  }
0x7e: {  	_ =	shalt  }
0x7f: {  	_ =	shalt  }
0x80: {  	_ =	shalt  }
0x81: {  	_ =	shalt  }
0x82: {  	_ =	shalt  }
0x83: {  	_ =	shalt  }
0x84: {  	_ =	shalt  }
0x85: {  	_ =	shalt  }
0x86: {  	_ =	shalt  }
0x87: {  	_ =	shalt  }
.Lfunc_end0:
.L_simem_size_0:
called_computation_lowered:
.L_overlay_start_0:
0x88: {  	s2 =	sld [smem:$0x3FD9]  }
0x89: {  	s3 =	sld [smem:$0x3FFE];
	_ =	sdelay $0x1  }
0x8a: {  	s1 =	srdreg.scid  }
0x8b: {  	s0 =	sand.u32 $0x1, s1  }
0x8c: {  	s17 =	sshll.u32 s0, $0xA;
	s2 =	sadd.s32 s3, s2  }
0x8d: {  	s2 =	sadd.s32 s2, s17  }
0x8e: {  	[smem:$0x3FC6] =	sst s2  }
0x8f: {  	_ = 	snop  }
0x90: {  	s2 =	sld [smem:$0x3FC9];
	(tm) =	ssettm $0x1  }
0x91: {  	s18 =	sld [smem:$0x3FFB];
	_ =	sdelay $0x3  }
0x92: {  	_ =	strace s18  }
0x93: {  	s3 =	sld [smem:$0x3FFC];
	_ =	sdelay $0x3  }
0x94: {  	_ =	strace s3  }
0x95: {  	s3 =	sld [smem:$0x3FFD];
	_ =	sdelay $0x3  }
0x96: {  	_ =	strace s3  }
0x97: {  	_ =	strace $0x8FFFFFFF  }
0x98: {  	s19 =	sld [smem:$0x3FDB];
	_ =	sdelay $0x1  }
0x99: {  	s4 =	simm.s32 $_scs_section_size  }
0x9a: {  	s5 =	simm.s32 $_size__tile_overlayer_lowered;
	s6 =	simm.s32 $_tile_overlayer_lowered  }
0x9b: {  	s22 =	simm.s32 $0x1BFF;
	s21 =	sshll.u32 s6, $0x1;
	s3 =	sadd.s32 s4, s19  }
0x9c: {  	s7 =	simm.s32 $0x0;
	s20 =	sshll.u32 s5, $0x1;
	s5 =	sadd.s32 s21, s3  }
0x9d: {  	[timem:s7], [sflag:s22] =	dma.local [hbm:s5], s20  }
0x9e: {  	_ =	swait.ge [sflag:s22], s20  }
0x9f: {  	s4 =	ssub.s32 $0x0, s20;
	[sflag:s22] =	ssyncset.done $0x0  }
0xa0: {  	[sflag:s22] =	ssyncadd.s32 s4;
	_ =	sdelay $0x1  }
0xa1: {  	s23 =	simm.s32 $0x1B8B  }
0xa2: {  	_ =	swait.ge [sflag:s23], $0x1  }
0xa3: {  	[sflag:s23] =	ssyncset.done $0x0  }
0xa4: {  	s25 =	simm.s32 $0x1B8E;
	s24 =	sld [smem:$0x3FFE];
	[sflag:s23] =	ssyncadd.s32 $0xFFFFFFFF  }
0xa5: {  	s26 =	simm.s32 $execute0_lowered;
	[smem:$0x3FD2] =	sst s25  }
0xa6: {  	s5 =	sshll.u32 s26, $0x1;
	_ =	strace $0x80000046;
	[dreg:$0x1] =	wrdreg $0xFFFFFFFF  }
0xa7: {  	s28 =	simm.s32 $_size_execute0_lowered;
	s3 =	sadd.s32 s3, s5;
	[dreg:$0x0] =	wrdreg $0x0  }
0xa8: {  	s5 =	sshll.u32 s28, $0x1;
	[dreg:$0x2] =	wrdreg s3  }
0xa9: {  	[dreg:$0x3] =	wrdreg s5  }
0xaa: {  	[dreg:$0x4] =	wrdreg $0xC0  }
0xab: {  	_ =	task [dreg:s7], $0x5FFFF  }
0xac: {  	[dreg:$0x1] =	wrdreg $0xFFFFFFFF  }
0xad: {  	[dreg:$0x0] =	wrdreg $0x60  }
0xae: {  	[dreg:$0x2] =	wrdreg s24  }
0xaf: {  	[dreg:$0x3] =	wrdreg s2  }
0xb0: {  	[dreg:$0x4] =	wrdreg $0x82000  }
0xb1: {  	[dreg:$0x5] =	wrdreg $0x9  }
0xb2: {  	_ =	task.clear_ibuf [dreg:s7], $0x6FFFF;
	_ =	strace $0x90000046  }
0xb3: {  	s29 =	simm.s32 $0x9;
	_ =	strace $0x80000048  }
0xb4: {  	_ =	swait.ge [sflag:s29], $0x1  }
0xb5: {  	[sflag:s29] =	ssyncadd.s32 $0xFFFFFFFF  }
0xb6: {  	_ =	strace $0x90000048  }
0xb7: {  	_ =	sfence  }
0xb8: {  	s30 =	sld [smem:$0x0];
	_ =	sdelay $0x2  }
0xb9: {  	s31 =	sshll.u32 s1, $0xD;
	s1 =	sshrl.u32 s1, $0x2  }
0xba: {  	s3 =	sand.u32 $0x4000, s31;
	s1 =	sadd.s32 s1, s30  }
0xbb: {  	s0 =	sor.u32 s3, s0;
	s1 =	sshll.u32 s1, $0x11  }
0xbc: {  	s0 =	sor.u32 s1, s0  }
0xbd: {  	s0 =	sadd.s32 $0x8F2B, s0  }
0xbe: {  	[sflag:s0] =	ssyncadd.remote.s32 $0x1  }
0xbf: {  	_ =	sfence.sel $0xFFFF  }
0xc0: {  	[dreg:$0x0] =	wrdreg $0xFFFFFFFF;
	(pc) =	sbr.abs _section_cstart, $3  }
0xc1: {  	[dreg:$0x1] =	wrdreg $0xFFFFFFFF  }
0xc2: {  	_ =	task.clear_ibuf [dreg:s7], $0x2FFFF;
	_ =	strace $0x9FFFFFFF  }
0xc3: {  	(tm) =	ssettm $0x7FFFFFFF  }
tec
execute0_lowered:
.L_overlay_start_1:
0x0: {  	(tag) =	ssettag $0x1  }
0x1: {  	s4 =	rddreg [dreg:$0x0]  }
0x2: {  	s5 =	rddreg [dreg:$0x1]  }
0x3: {  	s6 =	rddreg [dreg:$0x2];
	s2 =	srdreg.scid  }
0x4: {  	s0 =	rddreg [dreg:$0x3];
	s1 =	stileid.u32;
	s12 =	simm.s32 $0x3  }
0x5: {  	s13 =	simm.s32 $0x2;
	s14 =	simm.s32 $0x4;
	s15 =	simm.s32 $0x200  }
0x6: {  	s16 =	simm.s32 $0x0;
	s3 =	sand.u32 $0x1, s2;
	s2 =	simm.s32 $0x0  }
0x7: {  	s7 =	sshll.u32 s1, $0xA;
	s31 =	sshll.u32 s1, $0xF;
	s8 =	sshll.u32 s3, $0x9  }
0x8: {  	vm0 =	vmmov $0x1;
	[smem:$0x7FF] =	sst s2;
	s30 =	ssub.s32 $0x2, s3;
	s3 =	sadd.s32 $0x400, s4  }
0x9: {  	vm1 =	vcmask $0x308;
	vm2 =	vcmask $0x70C;
	vm3 =	vcmask $0xB10;
	s6 =	sadd.s32 s31, s6;
	s7 =	sor.u32 s8, s7;
	s10 =	sshrl.u32 s30, $0x1  }
0xa: {  	vm4 =	vcmask $0xF14;
	vm5 =	vcmask $0x1318;
	vm6 =	vcmask $0x171C;
	_ =	strace $0x80000047;
	s9 =	sshll.u32 s7, $0x4;
	s8 =	ssub.s32 s30, s10  }
0xb: {  	vm7 =	vcmask $0x1B20;
	vm8 =	vcmask $0x1F24;
	vm9 =	vcmask $0x2328;
	s7 =	sshrl.u32 s7, $0x3;
	s10 =	sshll.u32 s1, $0x6;
	s9 =	sadd.s32 s9, s4  }
0xc: {  	vm10 =	vcmask $0x272C;
	vm11 =	vcmask $0x2B30;
	vm12 =	vcmask $0x2F34;
	s5 =	sadd.s32 s5, s7;
	s8 =	smax.u32 s8, $0x1;
	s11 =	sor.u32 $0x1C03, s10  }
0xd: {  	vm13 =	vcmask $0x3338;
	vm14 =	vcmask $0x373C;
	vm15 =	vmmov $0x7fff;
	s4 =	sadd.s32 $0xF42800, s9;
	s7 =	sadd.s32 $0xF43800, s9;
	s9 =	simm.s32 $0x1  }
.LBB2_1:
.Ltmp0:
0xe: {  	(pc) =	sbr.rel .LBB2_2-.Ltmp0, $4  }
0xf: {  	[tilespmem:s2], [sflag:$0x1] =	stream.linear.gather [hbm4b:s5+s2], $0x200, $0x38;
	[tilespmem:$0xC200] =	vst v63  }
0x10: {  	_ =	swait.ge [sflag:s9], $0x200  }
0x11: {  	s17 =	simm.s32 $0x0;
	[sflag:s9] =	ssyncset.done $0x0  }
0x12: {  	s18 =	simm.s32 $0x0;
	s19 =	simm.s32 $0x0;
	[sflag:s9] =	ssyncadd.s32 $0xFFFFFE00  }
.LBB2_4:
0x13: {  	v1 =	vsel vm1, $0x0, v0  }
0x14: {  	(xrf0) =	vadd.scan.msk.s32 $0xffff, v1;
	_ =	sdelay $0x1  }
0x15: {  	v35 =	vsel vm2, $0x0, v0  }
0x16: {  	(xrf0) =	vadd.scan.msk.s32 $0xffff, v35;
	_ =	sdelay $0x2  }
0x17: {  	v37 =	vsel vm3, $0x0, v0;
	v36, _, _ =	vpop (xrf0)  }
0x18: {  	(xrf0) =	vadd.scan.msk.s32 $0xffff, v37;
	(v2sf) =	vpush v36, $0xF;
	_ =	sdelay $0x1  }
0x19: {  	v38, _, _ =	vpop (xrf0)  }
0x1a: {  	(v2sf) =	vpush v38, $0xF;
	_ =	sdelay $0x2  }
0x1b: {  	v40, _, _ =	vpop (xrf0)  }
0x1c: {  	v39 =	vsel vm4, $0x0, v0;
	(v2sf) =	vpush v40, $0xF  }
0x1d: {  	(xrf0) =	vadd.scan.msk.s32 $0xffff, v39;
	_ =	sdelay $0x1  }
0x1e: {  	v41 =	vsel vm5, $0x0, v0  }
0x1f: {  	(xrf0) =	vadd.scan.msk.s32 $0xffff, v41;
	_ =	sdelay $0x2  }
0x20: {  	v43 =	vsel vm6, $0x0, v0;
	v42, _, _ =	vpop (xrf0)  }
0x21: {  	(xrf0) =	vadd.scan.msk.s32 $0xffff, v43;
	s25 =	spop (v2sf);
	(v2sf) =	vpush v42, $0xF;
	_ =	sdelay $0x1  }
0x22: {  	v44, _, _ =	vpop (xrf0)  }
0x23: {  	s28 =	spop (v2sf);
	(v2sf) =	vpush v44, $0xF;
	_ =	sdelay $0x2  }
0x24: {  	v46, _, _ =	vpop (xrf0)  }
0x25: {  	v45 =	vsel vm7, $0x0, v0;
	s30 =	spop (v2sf);
	(v2sf) =	vpush v46, $0xF  }
0x26: {  	(xrf0) =	vadd.scan.msk.s32 $0xffff, v45  }
0x27: {  	s22 =	sadd.s32 $0xFFFF8200, s20;
	s21 =	sadd.s32 s3, s21  }
0x28: {  	v47 =	vsel vm8, $0x0, v0;
	[tilespmem:s22], [sflag:$0x2] =	stream.linear.gather [hbm4b:s21+s2], $0x80, $0x38;
	[tilespmem:$0xC200] =	vst v63  }
0x29: {  	(xrf0) =	vadd.scan.msk.s32 $0xffff, v47;
	s21 =	sshll.u32 s25, $0x4  }
0x2a: {  	s21 =	sand.u32 $0x1FFFFFF0, s21  }
0x2b: {  	s26 =	sadd.s32 $0xFFFF8280, s20;
	s21 =	sadd.s32 s3, s21  }
0x2c: {  	v49 =	vsel vm9, $0x0, v0;
	v48, _, _ =	vpop (xrf0);
	[tilespmem:s26], [sflag:$0x2] =	stream.linear.gather [hbm4b:s21+s2], $0x80, $0x38;
	[tilespmem:$0xC200] =	vst v63  }
0x2d: {  	(xrf0) =	vadd.scan.msk.s32 $0xffff, v49;
	s23 =	spop (v2sf);
	(v2sf) =	vpush v48, $0xF  }
0x2e: {  	s21 =	sshll.u32 s28, $0x4  }
0x2f: {  	v50, _, _ =	vpop (xrf0);
	s21 =	sand.u32 $0x1FFFFFF0, s21  }
0x30: {  	s29 =	sadd.s32 $0xFFFF8300, s20;
	s21 =	sadd.s32 s3, s21;
	s25 =	spop (v2sf);
	(v2sf) =	vpush v50, $0xF  }
0x31: {  	[tilespmem:s29], [sflag:$0x2] =	stream.linear.gather [hbm4b:s21+s2], $0x80, $0x38;
	[tilespmem:$0xC200] =	vst v63  }
0x32: {  	s21 =	sshll.u32 s30, $0x4  }
0x33: {  	v51 =	vsel vm10, $0x0, v0;
	s21 =	sand.u32 $0x1FFFFFF0, s21;
	v52, _, _ =	vpop (xrf0)  }
0x34: {  	s31 =	sadd.s32 $0xFFFF8380, s20;
	(xrf0) =	vadd.scan.msk.s32 $0xffff, v51;
	s21 =	sadd.s32 s3, s21;
	s28 =	spop (v2sf);
	(v2sf) =	vpush v52, $0xF  }
0x35: {  	[tilespmem:s31], [sflag:$0x2] =	stream.linear.gather [hbm4b:s21+s2], $0x80, $0x38;
	[tilespmem:$0xC200] =	vst v63  }
0x36: {  	s21 =	sshll.u32 s23, $0x4  }
0x37: {  	v53 =	vsel vm11, $0x0, v0;
	s21 =	sand.u32 $0x1FFFFFF0, s21  }
0x38: {  	s24 =	sadd.s32 $0xFFFF8400, s20;
	(xrf0) =	vadd.scan.msk.s32 $0xffff, v53;
	s21 =	sadd.s32 s3, s21  }
0x39: {  	[tilespmem:s24], [sflag:$0x2] =	stream.linear.gather [hbm4b:s21+s2], $0x80, $0x38;
	[tilespmem:$0xC200] =	vst v63  }
0x3a: {  	s21 =	sshll.u32 s25, $0x4  }
0x3b: {  	v55 =	vsel vm12, $0x0, v0;
	v54, _, _ =	vpop (xrf0);
	s21 =	sand.u32 $0x1FFFFFF0, s21  }
0x3c: {  	s26 =	sadd.s32 $0xFFFF8480, s20;
	(xrf0) =	vadd.scan.msk.s32 $0xffff, v55;
	s21 =	sadd.s32 s3, s21;
	s30 =	spop (v2sf);
	(v2sf) =	vpush v54, $0xF  }
0x3d: {  	[tilespmem:s26], [sflag:$0x2] =	stream.linear.gather [hbm4b:s21+s2], $0x80, $0x38;
	[tilespmem:$0xC200] =	vst v63  }
0x3e: {  	v56, _, _ =	vpop (xrf0);
	s21 =	sshll.u32 s28, $0x4  }
0x3f: {  	s21 =	sand.u32 $0x1FFFFFF0, s21;
	s23 =	spop (v2sf);
	(v2sf) =	vpush v56, $0xF  }
0x40: {  	s29 =	sadd.s32 $0xFFFF8500, s20;
	s21 =	sadd.s32 s3, s21  }
0x41: {  	[tilespmem:s29], [sflag:$0x2] =	stream.linear.gather [hbm4b:s21+s2], $0x80, $0x38;
	[tilespmem:$0xC200] =	vst v63  }
0x42: {  	v58, _, _ =	vpop (xrf0);
	s21 =	sshll.u32 s30, $0x4  }
0x43: {  	v57 =	vsel vm13, $0x0, v0;
	s21 =	sand.u32 $0x1FFFFFF0, s21;
	s25 =	spop (v2sf);
	(v2sf) =	vpush v58, $0xF  }
0x44: {  	s31 =	sadd.s32 $0xFFFF8580, s20;
	(xrf0) =	vadd.scan.msk.s32 $0xffff, v57;
	s21 =	sadd.s32 s3, s21  }
0x45: {  	[tilespmem:s31], [sflag:$0x2] =	stream.linear.gather [hbm4b:s21+s2], $0x80, $0x38;
	[tilespmem:$0xC200] =	vst v63  }
0x46: {  	v59 =	vsel vm14, $0x0, v0;
	s21 =	sshll.u32 s23, $0x4  }
0x47: {  	(xrf0) =	vadd.scan.msk.s32 $0xffff, v59;
	s21 =	sand.u32 $0x1FFFFFF0, s21  }
0x48: {  	s24 =	sadd.s32 $0xFFFF8600, s20;
	s21 =	sadd.s32 s3, s21  }
0x49: {  	[tilespmem:s24], [sflag:$0x2] =	stream.linear.gather [hbm4b:s21+s2], $0x80, $0x38;
	[tilespmem:$0xC200] =	vst v63  }
0x4a: {  	v61 =	vsel vm15, $0x0, v0;
	v60, _, _ =	vpop (xrf0);
	s21 =	sshll.u32 s25, $0x4  }
0x4b: {  	(xrf0) =	vadd.scan.msk.s32 $0xffff, v61;
	s21 =	sand.u32 $0x1FFFFFF0, s21;
	s28 =	spop (v2sf);
	(v2sf) =	vpush v60, $0xF  }
0x4c: {  	s26 =	sadd.s32 $0xFFFF8680, s20;
	s21 =	sadd.s32 s3, s21  }
0x4d: {  	v62, _, _ =	vpop (xrf0);
	[tilespmem:s26], [sflag:$0x2] =	stream.linear.gather [hbm4b:s21+s2], $0x80, $0x38;
	[tilespmem:$0xC200] =	vst v63  }
0x4e: {  	s21 =	sshll.u32 s28, $0x4;
	s30 =	spop (v2sf);
	(v2sf) =	vpush v62, $0xF  }
0x4f: {  	s21 =	sand.u32 $0x1FFFFFF0, s21  }
0x50: {  	s29 =	sadd.s32 $0xFFFF8700, s20;
	s21 =	sadd.s32 s3, s21  }
0x51: {  	v63, _, _ =	vpop (xrf0);
	[tilespmem:s29], [sflag:$0x2] =	stream.linear.gather [hbm4b:s21+s2], $0x80, $0x38;
	[tilespmem:$0xC200] =	vst v63  }
0x52: {  	s21 =	sshll.u32 s30, $0x4;
	s23 =	spop (v2sf);
	(v2sf) =	vpush v63, $0xF  }
0x53: {  	s21 =	sand.u32 $0x1FFFFFF0, s21  }
0x54: {  	s31 =	sadd.s32 $0xFFFF8780, s20;
	s21 =	sadd.s32 s3, s21  }
0x55: {  	[tilespmem:s31], [sflag:$0x2] =	stream.linear.gather [hbm4b:s21+s2], $0x80, $0x38;
	[tilespmem:$0xC200] =	vst v63  }
0x56: {  	s21 =	sshll.u32 s23, $0x4  }
0x57: {  	s21 =	sand.u32 $0x1FFFFFF0, s21  }
0x58: {  	s24 =	sadd.s32 $0xFFFF8800, s20;
	s21 =	sadd.s32 s3, s21  }
0x59: {  	[tilespmem:s24], [sflag:$0x2] =	stream.linear.gather [hbm4b:s21+s2], $0x80, $0x38;
	[tilespmem:$0xC200] =	vst v63  }
0x5a: {  	s25 =	spop (v2sf)  }
0x5b: {  	s21 =	sshll.u32 s25, $0x4  }
0x5c: {  	s21 =	sand.u32 $0x1FFFFFF0, s21  }
0x5d: {  	s26 =	sadd.s32 $0xFFFF8880, s20;
	s28 =	spop (v2sf);
	s21 =	sadd.s32 s3, s21  }
0x5e: {  	[tilespmem:s26], [sflag:$0x2] =	stream.linear.gather [hbm4b:s21+s2], $0x80, $0x38;
	[tilespmem:$0xC200] =	vst v63  }
0x5f: {  	s21 =	sshll.u32 s28, $0x4  }
0x60: {  	s21 =	sand.u32 $0x1FFFFFF0, s21  }
0x61: {  	s29 =	sadd.s32 $0xFFFF8900, s20;
	s21 =	sadd.s32 s3, s21;
	s30 =	spop (v2sf)  }
0x62: {  	[tilespmem:s29], [sflag:$0x2] =	stream.linear.gather [hbm4b:s21+s2], $0x80, $0x38;
	[tilespmem:$0xC200] =	vst v63  }
0x63: {  	s21 =	sshll.u32 s30, $0x4  }
0x64: {  	s21 =	sand.u32 $0x1FFFFFF0, s21  }
0x65: {  	s31 =	sadd.s32 $0xFFFF8980, s20;
	s21 =	sadd.s32 s3, s21  }
0x66: {  	[tilespmem:s31], [sflag:$0x2] =	stream.linear.gather [hbm4b:s21+s2], $0x80, $0x38;
	[tilespmem:$0xC200] =	vst v63  }
.LBB2_5:
0x67: {  	s17 =	sadd.s32 $0x2000, s17  }
0x68: {  	p0 =	sne.s32 s17, $0x40000  }
.Ltmp1:
0x69: {  	_ = 	snop;
	(pc) =	sbr.rel @!p0 .LBB2_6-.Ltmp1, $2  }
0x6a: {  	_ =	sdelay $0x2  }
0x6b: {  	s19 =	sadd.s32 $0x1, s19;
	s18 =	sadd.s32 $0x10, s18;
	s20 =	simm.s32 $0x100  }
.LBB2_2:
0x6c: {  	v0 =	vld [tilespmem:s18+$0x0];
	_ =	sdelay $0x4  }
0x6d: {  	v1 =	vnsel vm0, $0x0, v0  }
0x6e: {  	(xrf0) =	vadd.scan.msk.s32 $0xffff, v1;
	_ =	sdelay $0x5  }
0x6f: {  	v1, _, _ =	vpop (xrf0)  }
0x70: {  	(v2sf) =	vpush v1, $0xF;
	_ =	sdelay $0xb  }
0x71: {  	p0 =	sgt.u32 s19, $0xF  }
.Ltmp2:
0x72: {  	_ = 	snop;
	(pc) =	sbr.rel @p0 .LBB2_4-.Ltmp2, $4  }
0x73: {  	_ = 	snop  }
0x74: {  	s20 =	spop (v2sf)  }
0x75: {  	s21 =	sshll.u32 s20, $0x4  }
0x76: {  	s20 =	sshra.s32 s17, $0x2;
	s21 =	sand.u32 $0x1FFFFFF0, s21  }
0x77: {  	s20 =	sadd.s32 s20, s6  }
0x78: {  	s21 =	sadd.s32 s3, s21;
	s22 =	sshrl.u32 s20, $0x3  }
0x79: {  	v1 =	vsel vm1, $0x0, v0;
	[spmem:s22], [sflag:s11] =	dma.local [hbm:s21], $0x10  }
0x7a: {  	(xrf0) =	vadd.scan.msk.s32 $0xffff, v1;
	_ =	sdelay $0x5  }
0x7b: {  	v1, _, _ =	vpop (xrf0)  }
0x7c: {  	(v2sf) =	vpush v1, $0xF;
	_ =	sdelay $0xe  }
0x7d: {  	s21 =	spop (v2sf)  }
0x7e: {  	s21 =	sshll.u32 s21, $0x4  }
0x7f: {  	s25 =	sadd.s32 $0x80, s20;
	s21 =	sand.u32 $0x1FFFFFF0, s21  }
0x80: {  	s22 =	sshrl.u32 s25, $0x3;
	s21 =	sadd.s32 s3, s21  }
0x81: {  	v50 =	vsel vm2, $0x0, v0;
	[spmem:s22], [sflag:s11] =	dma.local [hbm:s21], $0x10  }
0x82: {  	(xrf0) =	vadd.scan.msk.s32 $0xffff, v50;
	_ =	sdelay $0x5  }
0x83: {  	v1, _, _ =	vpop (xrf0)  }
0x84: {  	(v2sf) =	vpush v1, $0xF;
	_ =	sdelay $0xe  }
0x85: {  	s21 =	spop (v2sf)  }
0x86: {  	s21 =	sshll.u32 s21, $0x4  }
0x87: {  	s26 =	sadd.s32 $0x100, s20;
	s21 =	sand.u32 $0x1FFFFFF0, s21  }
0x88: {  	s22 =	sshrl.u32 s26, $0x3;
	s21 =	sadd.s32 s3, s21  }
0x89: {  	v51 =	vsel vm3, $0x0, v0;
	[spmem:s22], [sflag:s11] =	dma.local [hbm:s21], $0x10  }
0x8a: {  	(xrf0) =	vadd.scan.msk.s32 $0xffff, v51;
	_ =	sdelay $0x5  }
0x8b: {  	v1, _, _ =	vpop (xrf0)  }
0x8c: {  	(v2sf) =	vpush v1, $0xF;
	_ =	sdelay $0xe  }
0x8d: {  	s21 =	spop (v2sf)  }
0x8e: {  	s21 =	sshll.u32 s21, $0x4  }
0x8f: {  	s28 =	sadd.s32 $0x180, s20;
	s21 =	sand.u32 $0x1FFFFFF0, s21  }
0x90: {  	s22 =	sshrl.u32 s28, $0x3;
	s21 =	sadd.s32 s3, s21  }
0x91: {  	v52 =	vsel vm4, $0x0, v0;
	[spmem:s22], [sflag:s11] =	dma.local [hbm:s21], $0x10  }
0x92: {  	(xrf0) =	vadd.scan.msk.s32 $0xffff, v52;
	_ =	sdelay $0x5  }
0x93: {  	v1, _, _ =	vpop (xrf0)  }
0x94: {  	(v2sf) =	vpush v1, $0xF;
	_ =	sdelay $0xe  }
0x95: {  	s21 =	spop (v2sf)  }
0x96: {  	s21 =	sshll.u32 s21, $0x4  }
0x97: {  	s29 =	sadd.s32 $0x200, s20;
	s21 =	sand.u32 $0x1FFFFFF0, s21  }
0x98: {  	s22 =	sshrl.u32 s29, $0x3;
	s21 =	sadd.s32 s3, s21  }
0x99: {  	v53 =	vsel vm5, $0x0, v0;
	[spmem:s22], [sflag:s11] =	dma.local [hbm:s21], $0x10  }
0x9a: {  	(xrf0) =	vadd.scan.msk.s32 $0xffff, v53;
	_ =	sdelay $0x5  }
0x9b: {  	v1, _, _ =	vpop (xrf0)  }
0x9c: {  	(v2sf) =	vpush v1, $0xF;
	_ =	sdelay $0xe  }
0x9d: {  	s21 =	spop (v2sf)  }
0x9e: {  	s21 =	sshll.u32 s21, $0x4  }
0x9f: {  	s30 =	sadd.s32 $0x280, s20;
	s21 =	sand.u32 $0x1FFFFFF0, s21  }
0xa0: {  	s22 =	sshrl.u32 s30, $0x3;
	s21 =	sadd.s32 s3, s21  }
0xa1: {  	v54 =	vsel vm6, $0x0, v0;
	[spmem:s22], [sflag:s11] =	dma.local [hbm:s21], $0x10  }
0xa2: {  	(xrf0) =	vadd.scan.msk.s32 $0xffff, v54;
	_ =	sdelay $0x5  }
0xa3: {  	v1, _, _ =	vpop (xrf0)  }
0xa4: {  	(v2sf) =	vpush v1, $0xF;
	_ =	sdelay $0xe  }
0xa5: {  	s21 =	spop (v2sf)  }
0xa6: {  	s21 =	sshll.u32 s21, $0x4  }
0xa7: {  	s31 =	sadd.s32 $0x300, s20;
	s21 =	sand.u32 $0x1FFFFFF0, s21  }
0xa8: {  	s22 =	sshrl.u32 s31, $0x3;
	s21 =	sadd.s32 s3, s21  }
0xa9: {  	v55 =	vsel vm7, $0x0, v0;
	[spmem:s22], [sflag:s11] =	dma.local [hbm:s21], $0x10  }
0xaa: {  	(xrf0) =	vadd.scan.msk.s32 $0xffff, v55;
	_ =	sdelay $0x5  }
0xab: {  	v1, _, _ =	vpop (xrf0)  }
0xac: {  	(v2sf) =	vpush v1, $0xF;
	_ =	sdelay $0xe  }
0xad: {  	s21 =	spop (v2sf)  }
0xae: {  	s21 =	sshll.u32 s21, $0x4  }
0xaf: {  	s23 =	sadd.s32 $0x380, s20;
	s21 =	sand.u32 $0x1FFFFFF0, s21  }
0xb0: {  	s22 =	sshrl.u32 s23, $0x3;
	s21 =	sadd.s32 s3, s21  }
0xb1: {  	v56 =	vsel vm8, $0x0, v0;
	[spmem:s22], [sflag:s11] =	dma.local [hbm:s21], $0x10  }
0xb2: {  	(xrf0) =	vadd.scan.msk.s32 $0xffff, v56;
	_ =	sdelay $0x5  }
0xb3: {  	v1, _, _ =	vpop (xrf0)  }
0xb4: {  	(v2sf) =	vpush v1, $0xF;
	_ =	sdelay $0xe  }
0xb5: {  	s21 =	spop (v2sf)  }
0xb6: {  	s21 =	sshll.u32 s21, $0x4  }
0xb7: {  	s24 =	sadd.s32 $0x400, s20;
	s21 =	sand.u32 $0x1FFFFFF0, s21  }
0xb8: {  	s22 =	sshrl.u32 s24, $0x3;
	s21 =	sadd.s32 s3, s21  }
0xb9: {  	v57 =	vsel vm9, $0x0, v0;
	[spmem:s22], [sflag:s11] =	dma.local [hbm:s21], $0x10  }
0xba: {  	(xrf0) =	vadd.scan.msk.s32 $0xffff, v57;
	_ =	sdelay $0x5  }
0xbb: {  	v1, _, _ =	vpop (xrf0)  }
0xbc: {  	(v2sf) =	vpush v1, $0xF;
	_ =	sdelay $0xe  }
0xbd: {  	s21 =	spop (v2sf)  }
0xbe: {  	s21 =	sshll.u32 s21, $0x4  }
0xbf: {  	s25 =	sadd.s32 $0x480, s20;
	s21 =	sand.u32 $0x1FFFFFF0, s21  }
0xc0: {  	s22 =	sshrl.u32 s25, $0x3;
	s21 =	sadd.s32 s3, s21  }
0xc1: {  	v58 =	vsel vm10, $0x0, v0;
	[spmem:s22], [sflag:s11] =	dma.local [hbm:s21], $0x10  }
0xc2: {  	(xrf0) =	vadd.scan.msk.s32 $0xffff, v58;
	_ =	sdelay $0x5  }
0xc3: {  	v1, _, _ =	vpop (xrf0)  }
0xc4: {  	(v2sf) =	vpush v1, $0xF;
	_ =	sdelay $0xe  }
0xc5: {  	s21 =	spop (v2sf)  }
0xc6: {  	s21 =	sshll.u32 s21, $0x4  }
0xc7: {  	s26 =	sadd.s32 $0x500, s20;
	s21 =	sand.u32 $0x1FFFFFF0, s21  }
0xc8: {  	s22 =	sshrl.u32 s26, $0x3;
	s21 =	sadd.s32 s3, s21  }
0xc9: {  	v59 =	vsel vm11, $0x0, v0;
	[spmem:s22], [sflag:s11] =	dma.local [hbm:s21], $0x10  }
0xca: {  	(xrf0) =	vadd.scan.msk.s32 $0xffff, v59;
	_ =	sdelay $0x5  }
0xcb: {  	v1, _, _ =	vpop (xrf0)  }
0xcc: {  	(v2sf) =	vpush v1, $0xF;
	_ =	sdelay $0xe  }
0xcd: {  	s21 =	spop (v2sf)  }
0xce: {  	s21 =	sshll.u32 s21, $0x4  }
0xcf: {  	s28 =	sadd.s32 $0x580, s20;
	s21 =	sand.u32 $0x1FFFFFF0, s21  }
0xd0: {  	s22 =	sshrl.u32 s28, $0x3;
	s21 =	sadd.s32 s3, s21  }
0xd1: {  	v60 =	vsel vm12, $0x0, v0;
	[spmem:s22], [sflag:s11] =	dma.local [hbm:s21], $0x10  }
0xd2: {  	(xrf0) =	vadd.scan.msk.s32 $0xffff, v60;
	_ =	sdelay $0x5  }
0xd3: {  	v1, _, _ =	vpop (xrf0)  }
0xd4: {  	(v2sf) =	vpush v1, $0xF;
	_ =	sdelay $0xe  }
0xd5: {  	s21 =	spop (v2sf)  }
0xd6: {  	s21 =	sshll.u32 s21, $0x4  }
0xd7: {  	s29 =	sadd.s32 $0x600, s20;
	s21 =	sand.u32 $0x1FFFFFF0, s21  }
0xd8: {  	s22 =	sshrl.u32 s29, $0x3;
	s21 =	sadd.s32 s3, s21  }
0xd9: {  	v61 =	vsel vm13, $0x0, v0;
	[spmem:s22], [sflag:s11] =	dma.local [hbm:s21], $0x10  }
0xda: {  	(xrf0) =	vadd.scan.msk.s32 $0xffff, v61;
	_ =	sdelay $0x5  }
0xdb: {  	v1, _, _ =	vpop (xrf0)  }
0xdc: {  	(v2sf) =	vpush v1, $0xF;
	_ =	sdelay $0xe  }
0xdd: {  	s21 =	spop (v2sf)  }
0xde: {  	s21 =	sshll.u32 s21, $0x4  }
0xdf: {  	s30 =	sadd.s32 $0x680, s20;
	s21 =	sand.u32 $0x1FFFFFF0, s21  }
0xe0: {  	s22 =	sshrl.u32 s30, $0x3;
	s21 =	sadd.s32 s3, s21  }
0xe1: {  	v62 =	vsel vm14, $0x0, v0;
	[spmem:s22], [sflag:s11] =	dma.local [hbm:s21], $0x10  }
0xe2: {  	(xrf0) =	vadd.scan.msk.s32 $0xffff, v62;
	_ =	sdelay $0x5  }
0xe3: {  	v1, _, _ =	vpop (xrf0)  }
0xe4: {  	(v2sf) =	vpush v1, $0xF;
	_ =	sdelay $0xe  }
0xe5: {  	s21 =	spop (v2sf)  }
0xe6: {  	s21 =	sshll.u32 s21, $0x4  }
0xe7: {  	s31 =	sadd.s32 $0x700, s20;
	s21 =	sand.u32 $0x1FFFFFF0, s21  }
0xe8: {  	s22 =	sshrl.u32 s31, $0x3;
	s21 =	sadd.s32 s3, s21  }
0xe9: {  	v63 =	vsel vm15, $0x0, v0;
	[spmem:s22], [sflag:s11] =	dma.local [hbm:s21], $0x10  }
0xea: {  	(xrf0) =	vadd.scan.msk.s32 $0xffff, v63;
	_ =	sdelay $0x5  }
0xeb: {  	v0, _, _ =	vpop (xrf0)  }
0xec: {  	(v2sf) =	vpush v0, $0xF;
	_ =	sdelay $0xe  }
.Ltmp3:
0xed: {  	s21 =	spop (v2sf);
	(pc) =	sbr.rel .LBB2_5-.Ltmp3, $4  }
0xee: {  	s21 =	sshll.u32 s21, $0x4  }
0xef: {  	s20 =	sadd.s32 $0x780, s20;
	s21 =	sand.u32 $0x1FFFFFF0, s21  }
0xf0: {  	s20 =	sshrl.u32 s20, $0x3;
	s21 =	sadd.s32 s3, s21  }
0xf1: {  	[spmem:s20], [sflag:s11] =	dma.local [hbm:s21], $0x10  }
.LBB2_6:
0xf2: {  	_ =	swait.ge [sflag:s12], $0x10  }
0xf3: {  	s17 =	sadd.s32 $0xFFFFFFFF, s20;
	[sflag:s12] =	ssyncset.done $0x0  }
.LBB2_7:
0xf4: {  	p0 =	sne.s32 s17, $0x1;
	s17 =	sadd.s32 $0xFFFFFFFF, s17;
	[sflag:s12] =	ssyncadd.s32 $0xFFFFFFF0  }
.Ltmp4:
0xf5: {  	(pc) =	sbr.rel @p0 .LBB2_7-.Ltmp4, $3  }
0xf6: {  	_ =	sdelay $0x1  }
0xf7: {  	_ =	swait.ge [sflag:s12], $0x10  }
0xf8: {  	[sflag:s12] =	ssyncset.done $0x0  }
0xf9: {  	[sflag:s12] =	ssyncadd.s32 $0xFFFFFFF0  }
0xfa: {  	_ =	swait.ge [sflag:s13], $0x80  }
0xfb: {  	s17 =	simm.s32 $0xFF;
	[sflag:s13] =	ssyncset.done $0x0  }
.LBB2_9:
0xfc: {  	p0 =	sne.s32 s17, $0x1;
	s17 =	sadd.s32 $0xFFFFFFFF, s17;
	[sflag:s13] =	ssyncadd.s32 $0xFFFFFF80  }
.Ltmp5:
0xfd: {  	(pc) =	sbr.rel @p0 .LBB2_9-.Ltmp5, $3  }
0xfe: {  	_ =	sdelay $0x1  }
0xff: {  	_ =	swait.ge [sflag:s13], $0x80  }
0x100: {  	[sflag:s13] =	ssyncset.done $0x0  }
0x101: {  	[sflag:s13] =	ssyncadd.s32 $0xFFFFFF80;
	s17 =	sor.u32 $0x1C04, s10;
	s18 =	sshrl.u32 s6, $0x3  }
0x102: {  	[hbm:s4], [sflag:s17] =	dma.local [spmem:s18], $0x1000  }
0x103: {  	s16 =	sadd.s32 $0x1, s16;
	_ =	swait.ge [sflag:s14], $0x1000  }
0x104: {  	p0 =	sne.s32 s16, s8;
	[sflag:s14] =	ssyncset.done $0x0  }
.Ltmp6:
0x105: {  	[sflag:s14] =	ssyncadd.s32 $0xFFFFF000;
	(pc) =	sbr.rel @p0 .LBB2_1-.Ltmp6, $4  }
0x106: {  	[hbm4b:s7+s2] =	stream.linear.scatter [tilespmem:s15], [sflag:$0x4], $0x8000, $0x38;
	[tilespmem:$0xC200] =	vst v63  }
0x107: {  	_ =	swait.ge [sflag:s14], $0x8000  }
0x108: {  	[sflag:s14] =	ssyncset.done $0x0  }
0x109: {  	[sflag:s14] =	ssyncadd.s32 $0xFFFF8000  }
0x10a: {  	_ =	sfence.sel $0x180000  }
0x10b: {  	[bflag:$0x0] =	sbarrier.arrive $0xFFFF  }
0x10c: {  	p0 =	sne.s32 s1, $0x0;
	_ =	strace $0x90000047  }
0x10d: {  	s0 =	sadd.s32 @!p0 $0x100000, s0;
	[bflag:$0x2] =	sbarrier.arrive $0xFFFF  }
0x10e: {  	[sflag:s0] =	ssyncadd.tile.s32 @!p0 $0x1;
	_ =	shalt  }
.Lfunc_end2:
_tile_overlayer_lowered:
.L_overlay_start_2:
0x10f: {  	(tag) =	ssettag $0x2  }
0x110: {  	s0 =	rddreg [dreg:$0x0];
	s2 =	stileid.u32  }
0x111: {  	s1 =	rddreg [dreg:$0x1];
	p0 =	sne.s32 s2, $0x0  }
0x112: {  	s3 =	rddreg [dreg:$0x2];
	[bflag:$0x3] =	sbarrier.arrive $0xFFFF;
	s2 =	simm.s32 @!p0 $0x1C04  }
0x113: {  	[timem:s3], [sflag:s2] =	dma.local @!p0 [hbm:s0], s1  }
0x114: {  	s0 =	simm.s32 @!p0 $0x4  }
0x115: {  	_ =	swait.ge @!p0 [sflag:s0], s1  }
0x116: {  	s1 =	ssub.s32 @!p0 $0x0, s1;
	[sflag:s0] =	ssyncset.done @!p0 $0x0  }
0x117: {  	[sflag:s0] =	ssyncadd.s32 @!p0 s1  }
0x118: {  	[bflag:$0x3] =	sbarrier.arrive $0xFFFF  }
0x119: {  	_ =	shalt  }

</sc_bundles>
